<compile_context>
chip_gen: v7x
topology: tpu7x:2x2x1
jax: 0.10.2.dev20260603
libtpu: 0.0.44.dev20260713+nightly
codegen_flags: <defaults>
</compile_context>

<pallas_src>
import functools

import jax
import jax.numpy as jnp
from jax import lax
from jax.experimental import pallas as pl
from jax.experimental.pallas import tpu as pltpu
from jax.experimental.pallas import tpu_sc as plsc

N_NODES = 10000
N_EDGES = 320000
D = 128
DH = D // 2
EPS = 1e-5

NC = 2
NS = 16
EPT = N_EDGES // NS
CHUNK = 128
NCHUNK = EPT // CHUNK
TAIL = EPT - NCHUNK * CHUNK
RING = 4
ZCH = 80
NODE_CHUNKS = N_NODES // ZCH


def _sc_segment_sum(h2, src, dst):
    mesh = plsc.VectorSubcoreMesh(core_axis_name="c", subcore_axis_name="s")

    @functools.partial(
        pl.kernel,
        out_type=jax.ShapeDtypeStruct((N_NODES, D), jnp.float32),
        mesh=mesh,
        compiler_params=pltpu.CompilerParams(use_tc_tiling_on_sc=False),
        scratch_types=[
            pltpu.VMEM((EPT,), jnp.int32),
            pltpu.VMEM((EPT,), jnp.int32),
            [pltpu.VMEM((CHUNK,), jnp.int32) for _ in range(RING)],
            [pltpu.VMEM((CHUNK,), jnp.int32) for _ in range(RING)],
            [pltpu.VMEM((CHUNK, DH), jnp.float32) for _ in range(RING)],
            pltpu.VMEM((TAIL,), jnp.int32),
            pltpu.VMEM((TAIL,), jnp.int32),
            pltpu.VMEM((TAIL, DH), jnp.float32),
            pltpu.VMEM((ZCH, DH), jnp.float32),
            pltpu.VMEM_SHARED((N_NODES, DH), jnp.float32),
            [pltpu.SemaphoreType.DMA for _ in range(RING)],
            [pltpu.SemaphoreType.DMA for _ in range(RING)],
        ],
    )
    def k(h_hbm, src_hbm, dst_hbm, out_hbm,
          src_v, dst_v, sidx, didx, rows, sidx_t, didx_t, rows_t,
          zbuf, acc, gsem, ssem):
        c = lax.axis_index("c")
        s = lax.axis_index("s")

        pltpu.sync_copy(src_hbm.at[pl.ds(s * EPT, EPT)], src_v)
        pltpu.sync_copy(dst_hbm.at[pl.ds(s * EPT, EPT)], dst_v)

        def zstore(i, carry):
            zbuf[i // (DH // 16), pl.ds((i % (DH // 16)) * 16, 16)] = (
                jnp.zeros((16,), jnp.float32))
            return carry
        lax.fori_loop(0, ZCH * (DH // 16), zstore, 0)

        def strided_node_chunks(body):
            def it(i, carry):
                cid = s + i * NS

                @pl.when(cid < NODE_CHUNKS)
                def _():
                    body(cid)
                return carry
            lax.fori_loop(0, (NODE_CHUNKS + NS - 1) // NS, it, 0)

        strided_node_chunks(
            lambda cid: pltpu.sync_copy(zbuf, acc.at[pl.ds(cid * ZCH, ZCH)]))
        plsc.subcore_barrier()

        def prep_into(sbuf, dbuf, j, n):
            for q in range(n // 16):
                e0 = j * CHUNK + q * 16
                sbuf[pl.ds(q * 16, 16)] = src_v[pl.ds(e0, 16)] * 2 + c
                dbuf[pl.ds(q * 16, 16)] = dst_v[pl.ds(e0, 16)]

        def prep_idx(b, j):
            prep_into(sidx[b], didx[b], j, CHUNK)

        for b in range(RING):
            prep_idx(b, b)
            pltpu.async_copy(h_hbm.at[sidx[b]], rows[b], gsem[b])

        def block(jb, carry):
            for b in range(RING):
                pltpu.make_async_copy(
                    h_hbm.at[sidx[b]], rows[b], gsem[b]).wait()
                pltpu.async_copy(
                    rows[b], acc.at[didx[b]], ssem[b], add=True)
            for b in range(RING):
                j = jb * RING + b
                pltpu.make_async_copy(
                    rows[b], acc.at[didx[b]], ssem[b]).wait()
                jn = j + RING

                @pl.when(jn < NCHUNK)
                def _():
                    prep_idx(b, jn)
                    pltpu.async_copy(h_hbm.at[sidx[b]], rows[b], gsem[b])
            return carry
        lax.fori_loop(0, NCHUNK // RING, block, 0)

        prep_into(sidx_t, didx_t, NCHUNK, TAIL)
        pltpu.async_copy(h_hbm.at[sidx_t], rows_t, gsem[0]).wait()
        pltpu.sync_copy(rows_t, acc.at[didx_t], add=True)
        plsc.subcore_barrier()

        strided_node_chunks(
            lambda cid: pltpu.sync_copy(
                acc.at[pl.ds(cid * ZCH, ZCH)],
                out_hbm.at[pl.ds(cid * ZCH, ZCH), pl.ds(c * DH, DH)]))

    return k(h2, src, dst)


def _bn_body(agg_ref, gamma_ref, beta_ref, out_ref):
    agg = agg_ref[...]
    mean = jnp.mean(agg, axis=0, keepdims=True)
    cent = agg - mean
    var = jnp.mean(cent * cent, axis=0, keepdims=True)
    out_ref[...] = cent * lax.rsqrt(var + EPS) * gamma_ref[...] + beta_ref[...]


def kernel(h, edge_index, gamma, beta):
    h2 = h.reshape(2 * N_NODES, DH)
    agg = _sc_segment_sum(h2, edge_index[0], edge_index[1])
    return pl.pallas_call(
        _bn_body,
        out_shape=jax.ShapeDtypeStruct((N_NODES, D), jnp.float32),
    )(agg, gamma.reshape(1, D), beta.reshape(1, D))

# --- scband reference (transcript-rebuilt; emitter-appended) ---
"""Pipeline reference for scband-activation-gatsingle-head-layer-isotropic-83476984365548 (READ-ONLY COPY).

The authoritative reference and input builder live on the scoring server;
editing this copy changes nothing except your own understanding.
"""

import jax, jax.numpy as jnp
import numpy as np

N_NODES = 10000
N_EDGES = 320000
D = 128
EPS = 1e-5

def setup_inputs(seed: int = 0) -> dict:
    key = jax.random.key(seed)
    k1, k2 = jax.random.split(key, 2)
    h = jax.random.normal(k1, (N_NODES, D), dtype=jnp.float32)
    edge_index = jax.random.randint(k2, (2, N_EDGES), 0, N_NODES, dtype=jnp.int32)
    # BatchNorm1d learned parameters (affine), initialized like torch defaults
    gamma = jnp.ones((D,), dtype=jnp.float32)
    beta = jnp.zeros((D,), dtype=jnp.float32)
    return {"h": h, "edge_index": edge_index, "gamma": gamma, "beta": beta}

def reference(h, edge_index, gamma, beta):
    # message: z = src node features (gather)
    src = edge_index[0]
    dst = edge_index[1]
    msg = jnp.take(h, src, axis=0)            # [E, D] gather
    # reduce: sum of incoming messages per destination node (scatter-add)
    agg = jax.ops.segment_sum(msg, dst, num_segments=h.shape[0])  # [N, D]
    # BatchNorm1d (training-mode batch statistics, biased variance, affine)
    mean = jnp.mean(agg, axis=0)
    var = jnp.var(agg, axis=0)
    out = (agg - mean) / jnp.sqrt(var + EPS) * gamma + beta
    # activation is None; dropout p=0.0 -> identity
    return out

if __name__ == "__main__":
    import jax
    _d = setup_inputs()
    print(jax.jit(kernel)(*tuple(_d.values())))

</pallas_src>

<mosaic_0001>
#map = affine_map<(d0, d1) -> (0, 0)>
#map1 = affine_map<(d0, d1) -> (0)>
module attributes {stable_mosaic.version = 14 : i64} {
  func.func @k(%arg0: i32, %arg1: i32, %arg2: memref<20000x64xf32, #tpu.memory_space<hbm>>, %arg3: memref<320000xi32, #tpu.memory_space<hbm>>, %arg4: memref<320000xi32, #tpu.memory_space<hbm>>, %arg5: memref<10000x128xf32, #tpu.memory_space<hbm>>, %arg6: memref<20000xi32, #tpu.memory_space<vmem>>, %arg7: memref<20000xi32, #tpu.memory_space<vmem>>, %arg8: memref<128xi32, #tpu.memory_space<vmem>>, %arg9: memref<128xi32, #tpu.memory_space<vmem>>, %arg10: memref<128xi32, #tpu.memory_space<vmem>>, %arg11: memref<128xi32, #tpu.memory_space<vmem>>, %arg12: memref<128xi32, #tpu.memory_space<vmem>>, %arg13: memref<128xi32, #tpu.memory_space<vmem>>, %arg14: memref<128xi32, #tpu.memory_space<vmem>>, %arg15: memref<128xi32, #tpu.memory_space<vmem>>, %arg16: memref<128x64xf32, #tpu.memory_space<vmem>>, %arg17: memref<128x64xf32, #tpu.memory_space<vmem>>, %arg18: memref<128x64xf32, #tpu.memory_space<vmem>>, %arg19: memref<128x64xf32, #tpu.memory_space<vmem>>, %arg20: memref<32xi32, #tpu.memory_space<vmem>>, %arg21: memref<32xi32, #tpu.memory_space<vmem>>, %arg22: memref<32x64xf32, #tpu.memory_space<vmem>>, %arg23: memref<80x64xf32, #tpu.memory_space<vmem>>, %arg24: memref<10000x64xf32, #tpu.memory_space<vmem_shared>>, %arg25: memref<!tpu.dma_semaphore, #tpu.memory_space<semaphore_mem>>, %arg26: memref<!tpu.dma_semaphore, #tpu.memory_space<semaphore_mem>>, %arg27: memref<!tpu.dma_semaphore, #tpu.memory_space<semaphore_mem>>, %arg28: memref<!tpu.dma_semaphore, #tpu.memory_space<semaphore_mem>>, %arg29: memref<!tpu.dma_semaphore, #tpu.memory_space<semaphore_mem>>, %arg30: memref<!tpu.dma_semaphore, #tpu.memory_space<semaphore_mem>>, %arg31: memref<!tpu.dma_semaphore, #tpu.memory_space<semaphore_mem>>, %arg32: memref<!tpu.dma_semaphore, #tpu.memory_space<semaphore_mem>>) attributes {dimension_semantics = [#tpu.dimension_semantics<core_parallel>, #tpu.dimension_semantics<subcore_parallel>], iteration_bounds = array<i64: 2, 16>, scalar_prefetch = 0 : i64, scratch_operands = 27 : i64, tpu.core_type = #tpu.core_type<sc_vector_subcore>, window_params = [{transform_indices = #map}, {transform_indices = #map1}, {transform_indices = #map1}, {transform_indices = #map}]} {
    %mul3A = arith.constant 20000 : i32
    %mul3A_0 = arith.muli %arg1, %mul3A : i32
    "tpu.region"() ({
      %run_scoped3A = tpu.sem_alloc : memref<!tpu.dma_semaphore, #tpu.memory_space<semaphore_mem>>
      %dma_start3A_686 = tpu.memref_slice %arg3[%mul3A_0] : memref<320000xi32, #tpu.memory_space<hbm>> -> memref<20000xi32, #tpu.memory_space<hbm>>
      %dma_start3A_687 = tpu.memref_slice %arg3[%mul3A_0] : memref<320000xi32, #tpu.memory_space<hbm>> -> memref<20000xi32, #tpu.memory_space<hbm>>
      tpu.enqueue_dma source(%dma_start3A_687 : memref<20000xi32, #tpu.memory_space<hbm>>) target(%arg6 : memref<20000xi32, #tpu.memory_space<vmem>>) target_semaphore(%run_scoped3A : memref<!tpu.dma_semaphore, #tpu.memory_space<semaphore_mem>>)
      %dma_wait3A_688 = tpu.memref_slice %arg3[%mul3A_0] : memref<320000xi32, #tpu.memory_space<hbm>> -> memref<20000xi32, #tpu.memory_space<hbm>>
      %dma_wait3A_689 = tpu.memref_slice %arg3[%mul3A_0] : memref<320000xi32, #tpu.memory_space<hbm>> -> memref<20000xi32, #tpu.memory_space<hbm>>
      tpu.wait_dma2 semaphore(%run_scoped3A : memref<!tpu.dma_semaphore, #tpu.memory_space<semaphore_mem>>) src(%dma_wait3A_689 : memref<20000xi32, #tpu.memory_space<hbm>>) dst(%arg6 : memref<20000xi32, #tpu.memory_space<vmem>>)
      tpu.yield
    }) : () -> ()
    %mul3A_1 = arith.constant 20000 : i32
    %mul3A_2 = arith.muli %arg1, %mul3A_1 : i32
    "tpu.region"() ({
      %run_scoped3A = tpu.sem_alloc : memref<!tpu.dma_semaphore, #tpu.memory_space<semaphore_mem>>
      %dma_start3A_686 = tpu.memref_slice %arg4[%mul3A_2] : memref<320000xi32, #tpu.memory_space<hbm>> -> memref<20000xi32, #tpu.memory_space<hbm>>
      %dma_start3A_687 = tpu.memref_slice %arg4[%mul3A_2] : memref<320000xi32, #tpu.memory_space<hbm>> -> memref<20000xi32, #tpu.memory_space<hbm>>
      tpu.enqueue_dma source(%dma_start3A_687 : memref<20000xi32, #tpu.memory_space<hbm>>) target(%arg7 : memref<20000xi32, #tpu.memory_space<vmem>>) target_semaphore(%run_scoped3A : memref<!tpu.dma_semaphore, #tpu.memory_space<semaphore_mem>>)
      %dma_wait3A_688 = tpu.memref_slice %arg4[%mul3A_2] : memref<320000xi32, #tpu.memory_space<hbm>> -> memref<20000xi32, #tpu.memory_space<hbm>>
      %dma_wait3A_689 = tpu.memref_slice %arg4[%mul3A_2] : memref<320000xi32, #tpu.memory_space<hbm>> -> memref<20000xi32, #tpu.memory_space<hbm>>
      tpu.wait_dma2 semaphore(%run_scoped3A : memref<!tpu.dma_semaphore, #tpu.memory_space<semaphore_mem>>) src(%dma_wait3A_689 : memref<20000xi32, #tpu.memory_space<hbm>>) dst(%arg7 : memref<20000xi32, #tpu.memory_space<vmem>>)
      tpu.yield
    }) : () -> ()
    %scan3A = arith.constant 0 : i32
    %scan3A_3 = arith.constant 0 : i32
    %scan3A_4 = arith.constant 320 : i32
    %scan3A_5 = arith.addi %scan3A_3, %scan3A_4 : i32
    %scan3A_6 = arith.constant 1 : i32
    scf.for %scan3A_686 = %scan3A_3 to %scan3A_5 step %scan3A_6  : i32 {
      %broadcast_in_dim3A = arith.constant 0.000000e+00 : f32
      %broadcast_in_dim3A_687 = vector.broadcast %broadcast_in_dim3A : f32 to vector<16xf32>
      %jit3A = arith.constant 4 : i32
      %div3A = arith.divsi %scan3A_686, %jit3A : i32
      %sign3A = arith.constant 0 : i32
      %sign3A_688 = arith.cmpi sgt, %scan3A_686, %sign3A : i32
      %sign3A_689 = arith.extui %sign3A_688 : i1 to i32
      %sign3A_690 = arith.constant 0 : i32
      %sign3A_691 = arith.cmpi slt, %scan3A_686, %sign3A_690 : i32
      %sign3A_692 = arith.extui %sign3A_691 : i1 to i32
      %sign3A_693 = arith.subi %sign3A_689, %sign3A_692 : i32
      %sign3A_694 = arith.constant 0 : i32
      %sign3A_695 = arith.cmpi sgt, %jit3A, %sign3A_694 : i32
      %sign3A_696 = arith.extui %sign3A_695 : i1 to i32
      %sign3A_697 = arith.constant 0 : i32
      %sign3A_698 = arith.cmpi slt, %jit3A, %sign3A_697 : i32
      %sign3A_699 = arith.extui %sign3A_698 : i1 to i32
      %sign3A_700 = arith.subi %sign3A_696, %sign3A_699 : i32
      %ne3A = arith.cmpi ne, %sign3A_693, %sign3A_700 : i32
      %rem3A = arith.remsi %scan3A_686, %jit3A : i32
      %ne3A_701 = arith.constant 0 : i32
      %ne3A_702 = arith.cmpi ne, %rem3A, %ne3A_701 : i32
      %and3A = arith.andi %ne3A, %ne3A_702 : i1
      %sub3A = arith.constant 1 : i32
      %sub3A_703 = arith.subi %div3A, %sub3A : i32
      %select_n3A = arith.select %and3A, %sub3A_703, %div3A : i32
      %jit3A_704 = arith.constant 4 : i32
      %eq3A = arith.constant 0 : i32
      %eq3A_705 = arith.cmpi eq, %jit3A_704, %eq3A : i32
      %jit3A_706 = arith.constant 1 : i32
      %select_n3A_707 = arith.select %eq3A_705, %jit3A_706, %jit3A_704 : i32
      %rem3A_708 = arith.remsi %scan3A_686, %select_n3A_707 : i32
      %ne3A_709 = arith.constant 0 : i32
      %ne3A_710 = arith.cmpi ne, %rem3A_708, %ne3A_709 : i32
      %lt3A = arith.constant 0 : i32
      %lt3A_711 = arith.cmpi slt, %rem3A_708, %lt3A : i32
      %lt3A_712 = arith.constant 0 : i32
      %lt3A_713 = arith.cmpi slt, %select_n3A_707, %lt3A_712 : i32
      %ne3A_714 = arith.xori %lt3A_711, %lt3A_713 : i1
      %and3A_715 = arith.andi %ne3A_714, %ne3A_710 : i1
      %add3A_716 = arith.addi %rem3A_708, %select_n3A_707 : i32
      %select_n3A_717 = arith.select %and3A_715, %add3A_716, %rem3A_708 : i32
      %mul3A_718 = arith.constant 16 : i32
      %mul3A_719 = arith.muli %select_n3A_717, %mul3A_718 : i32
      %swap3A_720 = arith.index_cast %select_n3A : i32 to index
      %swap3A_721 = arith.index_cast %mul3A_719 : i32 to index
      %swap3A_722 = tpu.vector_load %arg23[%swap3A_720, %swap3A_721] {strides = array<i32>} : memref<80x64xf32, #tpu.memory_space<vmem>>, vector<1x16xf32>,
      %swap3A_723 = vector.shape_cast %swap3A_722 : vector<1x16xf32> to vector<16xf32>
      %swap3A_724 = vector.shape_cast %broadcast_in_dim3A_687 : vector<16xf32> to vector<1x16xf32>
      tpu.vector_store %arg23[%swap3A_720, %swap3A_721], %swap3A_724 {strides = array<i32>} : memref<80x64xf32, #tpu.memory_space<vmem>>, vector<1x16xf32>,
    }
    %scan3A_7 = arith.constant 320 : i32
    %scan3A_8 = arith.constant 0 : i32
    %scan3A_9 = arith.constant 0 : i32
    %scan3A_10 = arith.constant 8 : i32
    %scan3A_11 = arith.addi %scan3A_9, %scan3A_10 : i32
    %scan3A_12 = arith.constant 1 : i32
    scf.for %scan3A_686 = %scan3A_9 to %scan3A_11 step %scan3A_12  : i32 {
      %mul3A_687 = arith.constant 16 : i32
      %mul3A_688 = arith.muli %scan3A_686, %mul3A_687 : i32
      %add3A_689 = arith.addi %arg1, %mul3A_688 : i32
      %lt3A = arith.constant 125 : i32
      %lt3A_690 = arith.cmpi slt, %add3A_689, %lt3A : i32
      %convert_element_type3A = arith.extui %lt3A_690 : i1 to i32
      %cond3A = arith.constant 0 : i32
      %cond3A_691 = arith.cmpi ne, %convert_element_type3A, %cond3A : i32
      scf.if %cond3A_691 {
        %mul3A_692 = arith.constant 80 : i32
        %mul3A_693 = arith.muli %add3A_689, %mul3A_692 : i32
        "tpu.region"() ({
          %run_scoped3A = tpu.sem_alloc : memref<!tpu.dma_semaphore, #tpu.memory_space<semaphore_mem>>
          %dma_start3A_694 = arith.constant 0 : i32
          %dma_start3A_695 = tpu.memref_slice %arg24[%mul3A_693, %dma_start3A_694] : memref<10000x64xf32, #tpu.memory_space<vmem_shared>> -> memref<80x64xf32, #tpu.memory_space<vmem_shared>>
          %dma_start3A_696 = arith.constant 0 : i32
          %dma_start3A_697 = tpu.memref_slice %arg24[%mul3A_693, %dma_start3A_696] : memref<10000x64xf32, #tpu.memory_space<vmem_shared>> -> memref<80x64xf32, #tpu.memory_space<vmem_shared>>
          tpu.enqueue_dma source(%arg23 : memref<80x64xf32, #tpu.memory_space<vmem>>) target(%dma_start3A_697 : memref<80x64xf32, #tpu.memory_space<vmem_shared>>) target_semaphore(%run_scoped3A : memref<!tpu.dma_semaphore, #tpu.memory_space<semaphore_mem>>)
          %dma_wait3A_698 = arith.constant 0 : i32
          %dma_wait3A_699 = tpu.memref_slice %arg24[%mul3A_693, %dma_wait3A_698] : memref<10000x64xf32, #tpu.memory_space<vmem_shared>> -> memref<80x64xf32, #tpu.memory_space<vmem_shared>>
          %dma_wait3A_700 = arith.constant 0 : i32
          %dma_wait3A_701 = tpu.memref_slice %arg24[%mul3A_693, %dma_wait3A_700] : memref<10000x64xf32, #tpu.memory_space<vmem_shared>> -> memref<80x64xf32, #tpu.memory_space<vmem_shared>>
          tpu.wait_dma2 semaphore(%run_scoped3A : memref<!tpu.dma_semaphore, #tpu.memory_space<semaphore_mem>>) src(%arg23 : memref<80x64xf32, #tpu.memory_space<vmem>>) dst(%dma_wait3A_701 : memref<80x64xf32, #tpu.memory_space<vmem_shared>>)
          tpu.yield
        }) : () -> ()
      } else {
      }
    }
    %scan3A_13 = arith.constant 8 : i32
    %barrier3A = arith.constant 0 : index
    tpu.barrier barrier_id(%barrier3A)
    %get3A = arith.constant 0 : index
    %get3A_14 = tpu.vector_load %arg6[%get3A] {strides = array<i32>} : memref<20000xi32, #tpu.memory_space<vmem>>, vector<16xi32>,
    %get3A_15 = vector.shape_cast %get3A_14 : vector<16xi32> to vector<16xi32>
    %mul3A_16 = arith.constant 2 : i32
    %mul3A_17 = vector.broadcast %mul3A_16 : i32 to vector<16xi32>
    %mul3A_18 = arith.muli %get3A_15, %mul3A_17 : vector<16xi32>
    %add3A = vector.broadcast %arg0 : i32 to vector<16xi32>
    %add3A_19 = arith.addi %mul3A_18, %add3A : vector<16xi32>
    %swap3A = arith.constant 0 : index
    %swap3A_20 = tpu.vector_load %arg8[%swap3A] {strides = array<i32>} : memref<128xi32, #tpu.memory_space<vmem>>, vector<16xi32>,
    %swap3A_21 = vector.shape_cast %swap3A_20 : vector<16xi32> to vector<16xi32>
    %swap3A_22 = vector.shape_cast %add3A_19 : vector<16xi32> to vector<16xi32>
    tpu.vector_store %arg8[%swap3A], %swap3A_22 {strides = array<i32>} : memref<128xi32, #tpu.memory_space<vmem>>, vector<16xi32>,
    %get3A_23 = arith.constant 0 : index
    %get3A_24 = tpu.vector_load %arg7[%get3A_23] {strides = array<i32>} : memref<20000xi32, #tpu.memory_space<vmem>>, vector<16xi32>,
    %get3A_25 = vector.shape_cast %get3A_24 : vector<16xi32> to vector<16xi32>
    %swap3A_26 = arith.constant 0 : index
    %swap3A_27 = tpu.vector_load %arg12[%swap3A_26] {strides = array<i32>} : memref<128xi32, #tpu.memory_space<vmem>>, vector<16xi32>,
    %swap3A_28 = vector.shape_cast %swap3A_27 : vector<16xi32> to vector<16xi32>
    %swap3A_29 = vector.shape_cast %get3A_25 : vector<16xi32> to vector<16xi32>
    tpu.vector_store %arg12[%swap3A_26], %swap3A_29 {strides = array<i32>} : memref<128xi32, #tpu.memory_space<vmem>>, vector<16xi32>,
    %get3A_30 = arith.constant 16 : index
    %get3A_31 = tpu.vector_load %arg6[%get3A_30] {strides = array<i32>} : memref<20000xi32, #tpu.memory_space<vmem>>, vector<16xi32>,
    %get3A_32 = vector.shape_cast %get3A_31 : vector<16xi32> to vector<16xi32>
    %mul3A_33 = arith.constant 2 : i32
    %mul3A_34 = vector.broadcast %mul3A_33 : i32 to vector<16xi32>
    %mul3A_35 = arith.muli %get3A_32, %mul3A_34 : vector<16xi32>
    %add3A_36 = vector.broadcast %arg0 : i32 to vector<16xi32>
    %add3A_37 = arith.addi %mul3A_35, %add3A_36 : vector<16xi32>
    %swap3A_38 = arith.constant 16 : index
    %swap3A_39 = tpu.vector_load %arg8[%swap3A_38] {strides = array<i32>} : memref<128xi32, #tpu.memory_space<vmem>>, vector<16xi32>,
    %swap3A_40 = vector.shape_cast %swap3A_39 : vector<16xi32> to vector<16xi32>
    %swap3A_41 = vector.shape_cast %add3A_37 : vector<16xi32> to vector<16xi32>
    tpu.vector_store %arg8[%swap3A_38], %swap3A_41 {strides = array<i32>} : memref<128xi32, #tpu.memory_space<vmem>>, vector<16xi32>,
    %get3A_42 = arith.constant 16 : index
    %get3A_43 = tpu.vector_load %arg7[%get3A_42] {strides = array<i32>} : memref<20000xi32, #tpu.memory_space<vmem>>, vector<16xi32>,
    %get3A_44 = vector.shape_cast %get3A_43 : vector<16xi32> to vector<16xi32>
    %swap3A_45 = arith.constant 16 : index
    %swap3A_46 = tpu.vector_load %arg12[%swap3A_45] {strides = array<i32>} : memref<128xi32, #tpu.memory_space<vmem>>, vector<16xi32>,
    %swap3A_47 = vector.shape_cast %swap3A_46 : vector<16xi32> to vector<16xi32>
    %swap3A_48 = vector.shape_cast %get3A_44 : vector<16xi32> to vector<16xi32>
    tpu.vector_store %arg12[%swap3A_45], %swap3A_48 {strides = array<i32>} : memref<128xi32, #tpu.memory_space<vmem>>, vector<16xi32>,
    %get3A_49 = arith.constant 32 : index
    %get3A_50 = tpu.vector_load %arg6[%get3A_49] {strides = array<i32>} : memref<20000xi32, #tpu.memory_space<vmem>>, vector<16xi32>,
    %get3A_51 = vector.shape_cast %get3A_50 : vector<16xi32> to vector<16xi32>
    %mul3A_52 = arith.constant 2 : i32
    %mul3A_53 = vector.broadcast %mul3A_52 : i32 to vector<16xi32>
    %mul3A_54 = arith.muli %get3A_51, %mul3A_53 : vector<16xi32>
    %add3A_55 = vector.broadcast %arg0 : i32 to vector<16xi32>
    %add3A_56 = arith.addi %mul3A_54, %add3A_55 : vector<16xi32>
    %swap3A_57 = arith.constant 32 : index
    %swap3A_58 = tpu.vector_load %arg8[%swap3A_57] {strides = array<i32>} : memref<128xi32, #tpu.memory_space<vmem>>, vector<16xi32>,
    %swap3A_59 = vector.shape_cast %swap3A_58 : vector<16xi32> to vector<16xi32>
    %swap3A_60 = vector.shape_cast %add3A_56 : vector<16xi32> to vector<16xi32>
    tpu.vector_store %arg8[%swap3A_57], %swap3A_60 {strides = array<i32>} : memref<128xi32, #tpu.memory_space<vmem>>, vector<16xi32>,
    %get3A_61 = arith.constant 32 : index
    %get3A_62 = tpu.vector_load %arg7[%get3A_61] {strides = array<i32>} : memref<20000xi32, #tpu.memory_space<vmem>>, vector<16xi32>,
    %get3A_63 = vector.shape_cast %get3A_62 : vector<16xi32> to vector<16xi32>
    %swap3A_64 = arith.constant 32 : index
    %swap3A_65 = tpu.vector_load %arg12[%swap3A_64] {strides = array<i32>} : memref<128xi32, #tpu.memory_space<vmem>>, vector<16xi32>,
    %swap3A_66 = vector.shape_cast %swap3A_65 : vector<16xi32> to vector<16xi32>
    %swap3A_67 = vector.shape_cast %get3A_63 : vector<16xi32> to vector<16xi32>
    tpu.vector_store %arg12[%swap3A_64], %swap3A_67 {strides = array<i32>} : memref<128xi32, #tpu.memory_space<vmem>>, vector<16xi32>,
    %get3A_68 = arith.constant 48 : index
    %get3A_69 = tpu.vector_load %arg6[%get3A_68] {strides = array<i32>} : memref<20000xi32, #tpu.memory_space<vmem>>, vector<16xi32>,
    %get3A_70 = vector.shape_cast %get3A_69 : vector<16xi32> to vector<16xi32>
    %mul3A_71 = arith.constant 2 : i32
    %mul3A_72 = vector.broadcast %mul3A_71 : i32 to vector<16xi32>
    %mul3A_73 = arith.muli %get3A_70, %mul3A_72 : vector<16xi32>
    %add3A_74 = vector.broadcast %arg0 : i32 to vector<16xi32>
    %add3A_75 = arith.addi %mul3A_73, %add3A_74 : vector<16xi32>
    %swap3A_76 = arith.constant 48 : index
    %swap3A_77 = tpu.vector_load %arg8[%swap3A_76] {strides = array<i32>} : memref<128xi32, #tpu.memory_space<vmem>>, vector<16xi32>,
    %swap3A_78 = vector.shape_cast %swap3A_77 : vector<16xi32> to vector<16xi32>
    %swap3A_79 = vector.shape_cast %add3A_75 : vector<16xi32> to vector<16xi32>
    tpu.vector_store %arg8[%swap3A_76], %swap3A_79 {strides = array<i32>} : memref<128xi32, #tpu.memory_space<vmem>>, vector<16xi32>,
    %get3A_80 = arith.constant 48 : index
    %get3A_81 = tpu.vector_load %arg7[%get3A_80] {strides = array<i32>} : memref<20000xi32, #tpu.memory_space<vmem>>, vector<16xi32>,
    %get3A_82 = vector.shape_cast %get3A_81 : vector<16xi32> to vector<16xi32>
    %swap3A_83 = arith.constant 48 : index
    %swap3A_84 = tpu.vector_load %arg12[%swap3A_83] {strides = array<i32>} : memref<128xi32, #tpu.memory_space<vmem>>, vector<16xi32>,
    %swap3A_85 = vector.shape_cast %swap3A_84 : vector<16xi32> to vector<16xi32>
    %swap3A_86 = vector.shape_cast %get3A_82 : vector<16xi32> to vector<16xi32>
    tpu.vector_store %arg12[%swap3A_83], %swap3A_86 {strides = array<i32>} : memref<128xi32, #tpu.memory_space<vmem>>, vector<16xi32>,
    %get3A_87 = arith.constant 64 : index
    %get3A_88 = tpu.vector_load %arg6[%get3A_87] {strides = array<i32>} : memref<20000xi32, #tpu.memory_space<vmem>>, vector<16xi32>,
    %get3A_89 = vector.shape_cast %get3A_88 : vector<16xi32> to vector<16xi32>
    %mul3A_90 = arith.constant 2 : i32
    %mul3A_91 = vector.broadcast %mul3A_90 : i32 to vector<16xi32>
    %mul3A_92 = arith.muli %get3A_89, %mul3A_91 : vector<16xi32>
    %add3A_93 = vector.broadcast %arg0 : i32 to vector<16xi32>
    %add3A_94 = arith.addi %mul3A_92, %add3A_93 : vector<16xi32>
    %swap3A_95 = arith.constant 64 : index
    %swap3A_96 = tpu.vector_load %arg8[%swap3A_95] {strides = array<i32>} : memref<128xi32, #tpu.memory_space<vmem>>, vector<16xi32>,
    %swap3A_97 = vector.shape_cast %swap3A_96 : vector<16xi32> to vector<16xi32>
    %swap3A_98 = vector.shape_cast %add3A_94 : vector<16xi32> to vector<16xi32>
    tpu.vector_store %arg8[%swap3A_95], %swap3A_98 {strides = array<i32>} : memref<128xi32, #tpu.memory_space<vmem>>, vector<16xi32>,
    %get3A_99 = arith.constant 64 : index
    %get3A_100 = tpu.vector_load %arg7[%get3A_99] {strides = array<i32>} : memref<20000xi32, #tpu.memory_space<vmem>>, vector<16xi32>,
    %get3A_101 = vector.shape_cast %get3A_100 : vector<16xi32> to vector<16xi32>
    %swap3A_102 = arith.constant 64 : index
    %swap3A_103 = tpu.vector_load %arg12[%swap3A_102] {strides = array<i32>} : memref<128xi32, #tpu.memory_space<vmem>>, vector<16xi32>,
    %swap3A_104 = vector.shape_cast %swap3A_103 : vector<16xi32> to vector<16xi32>
    %swap3A_105 = vector.shape_cast %get3A_101 : vector<16xi32> to vector<16xi32>
    tpu.vector_store %arg12[%swap3A_102], %swap3A_105 {strides = array<i32>} : memref<128xi32, #tpu.memory_space<vmem>>, vector<16xi32>,
    %get3A_106 = arith.constant 80 : index
    %get3A_107 = tpu.vector_load %arg6[%get3A_106] {strides = array<i32>} : memref<20000xi32, #tpu.memory_space<vmem>>, vector<16xi32>,
    %get3A_108 = vector.shape_cast %get3A_107 : vector<16xi32> to vector<16xi32>
    %mul3A_109 = arith.constant 2 : i32
    %mul3A_110 = vector.broadcast %mul3A_109 : i32 to vector<16xi32>
    %mul3A_111 = arith.muli %get3A_108, %mul3A_110 : vector<16xi32>
    %add3A_112 = vector.broadcast %arg0 : i32 to vector<16xi32>
    %add3A_113 = arith.addi %mul3A_111, %add3A_112 : vector<16xi32>
    %swap3A_114 = arith.constant 80 : index
    %swap3A_115 = tpu.vector_load %arg8[%swap3A_114] {strides = array<i32>} : memref<128xi32, #tpu.memory_space<vmem>>, vector<16xi32>,
    %swap3A_116 = vector.shape_cast %swap3A_115 : vector<16xi32> to vector<16xi32>
    %swap3A_117 = vector.shape_cast %add3A_113 : vector<16xi32> to vector<16xi32>
    tpu.vector_store %arg8[%swap3A_114], %swap3A_117 {strides = array<i32>} : memref<128xi32, #tpu.memory_space<vmem>>, vector<16xi32>,
    %get3A_118 = arith.constant 80 : index
    %get3A_119 = tpu.vector_load %arg7[%get3A_118] {strides = array<i32>} : memref<20000xi32, #tpu.memory_space<vmem>>, vector<16xi32>,
    %get3A_120 = vector.shape_cast %get3A_119 : vector<16xi32> to vector<16xi32>
    %swap3A_121 = arith.constant 80 : index
    %swap3A_122 = tpu.vector_load %arg12[%swap3A_121] {strides = array<i32>} : memref<128xi32, #tpu.memory_space<vmem>>, vector<16xi32>,
    %swap3A_123 = vector.shape_cast %swap3A_122 : vector<16xi32> to vector<16xi32>
    %swap3A_124 = vector.shape_cast %get3A_120 : vector<16xi32> to vector<16xi32>
    tpu.vector_store %arg12[%swap3A_121], %swap3A_124 {strides = array<i32>} : memref<128xi32, #tpu.memory_space<vmem>>, vector<16xi32>,
    %get3A_125 = arith.constant 96 : index
    %get3A_126 = tpu.vector_load %arg6[%get3A_125] {strides = array<i32>} : memref<20000xi32, #tpu.memory_space<vmem>>, vector<16xi32>,
    %get3A_127 = vector.shape_cast %get3A_126 : vector<16xi32> to vector<16xi32>
    %mul3A_128 = arith.constant 2 : i32
    %mul3A_129 = vector.broadcast %mul3A_128 : i32 to vector<16xi32>
    %mul3A_130 = arith.muli %get3A_127, %mul3A_129 : vector<16xi32>
    %add3A_131 = vector.broadcast %arg0 : i32 to vector<16xi32>
    %add3A_132 = arith.addi %mul3A_130, %add3A_131 : vector<16xi32>
    %swap3A_133 = arith.constant 96 : index
    %swap3A_134 = tpu.vector_load %arg8[%swap3A_133] {strides = array<i32>} : memref<128xi32, #tpu.memory_space<vmem>>, vector<16xi32>,
    %swap3A_135 = vector.shape_cast %swap3A_134 : vector<16xi32> to vector<16xi32>
    %swap3A_136 = vector.shape_cast %add3A_132 : vector<16xi32> to vector<16xi32>
    tpu.vector_store %arg8[%swap3A_133], %swap3A_136 {strides = array<i32>} : memref<128xi32, #tpu.memory_space<vmem>>, vector<16xi32>,
    %get3A_137 = arith.constant 96 : index
    %get3A_138 = tpu.vector_load %arg7[%get3A_137] {strides = array<i32>} : memref<20000xi32, #tpu.memory_space<vmem>>, vector<16xi32>,
    %get3A_139 = vector.shape_cast %get3A_138 : vector<16xi32> to vector<16xi32>
    %swap3A_140 = arith.constant 96 : index
    %swap3A_141 = tpu.vector_load %arg12[%swap3A_140] {strides = array<i32>} : memref<128xi32, #tpu.memory_space<vmem>>, vector<16xi32>,
    %swap3A_142 = vector.shape_cast %swap3A_141 : vector<16xi32> to vector<16xi32>
    %swap3A_143 = vector.shape_cast %get3A_139 : vector<16xi32> to vector<16xi32>
    tpu.vector_store %arg12[%swap3A_140], %swap3A_143 {strides = array<i32>} : memref<128xi32, #tpu.memory_space<vmem>>, vector<16xi32>,
    %get3A_144 = arith.constant 112 : index
    %get3A_145 = tpu.vector_load %arg6[%get3A_144] {strides = array<i32>} : memref<20000xi32, #tpu.memory_space<vmem>>, vector<16xi32>,
    %get3A_146 = vector.shape_cast %get3A_145 : vector<16xi32> to vector<16xi32>
    %mul3A_147 = arith.constant 2 : i32
    %mul3A_148 = vector.broadcast %mul3A_147 : i32 to vector<16xi32>
    %mul3A_149 = arith.muli %get3A_146, %mul3A_148 : vector<16xi32>
    %add3A_150 = vector.broadcast %arg0 : i32 to vector<16xi32>
    %add3A_151 = arith.addi %mul3A_149, %add3A_150 : vector<16xi32>
    %swap3A_152 = arith.constant 112 : index
    %swap3A_153 = tpu.vector_load %arg8[%swap3A_152] {strides = array<i32>} : memref<128xi32, #tpu.memory_space<vmem>>, vector<16xi32>,
    %swap3A_154 = vector.shape_cast %swap3A_153 : vector<16xi32> to vector<16xi32>
    %swap3A_155 = vector.shape_cast %add3A_151 : vector<16xi32> to vector<16xi32>
    tpu.vector_store %arg8[%swap3A_152], %swap3A_155 {strides = array<i32>} : memref<128xi32, #tpu.memory_space<vmem>>, vector<16xi32>,
    %get3A_156 = arith.constant 112 : index
    %get3A_157 = tpu.vector_load %arg7[%get3A_156] {strides = array<i32>} : memref<20000xi32, #tpu.memory_space<vmem>>, vector<16xi32>,
    %get3A_158 = vector.shape_cast %get3A_157 : vector<16xi32> to vector<16xi32>
    %swap3A_159 = arith.constant 112 : index
    %swap3A_160 = tpu.vector_load %arg12[%swap3A_159] {strides = array<i32>} : memref<128xi32, #tpu.memory_space<vmem>>, vector<16xi32>,
    %swap3A_161 = vector.shape_cast %swap3A_160 : vector<16xi32> to vector<16xi32>
    %swap3A_162 = vector.shape_cast %get3A_158 : vector<16xi32> to vector<16xi32>
    tpu.vector_store %arg12[%swap3A_159], %swap3A_162 {strides = array<i32>} : memref<128xi32, #tpu.memory_space<vmem>>, vector<16xi32>,
    %dma_start3A = arith.constant 0 : i32
    %dma_start3A_163 = arith.constant 0 : i32
    %dma_start3A_164 = tpu.memref_slice %arg2[%dma_start3A, %dma_start3A_163] : memref<20000x64xf32, #tpu.memory_space<hbm>> -> memref<20000x64xf32, #tpu.memory_space<hbm>>
    tpu.enqueue_indirect_dma source(%dma_start3A_164 : memref<20000x64xf32, #tpu.memory_space<hbm>>) target(%arg16 : memref<128x64xf32, #tpu.memory_space<vmem>>) offsets(%arg8 : memref<128xi32, #tpu.memory_space<vmem>>) semaphore(%arg25 : memref<!tpu.dma_semaphore, #tpu.memory_space<semaphore_mem>>)
    %get3A_165 = arith.constant 128 : index
    %get3A_166 = tpu.vector_load %arg6[%get3A_165] {strides = array<i32>} : memref<20000xi32, #tpu.memory_space<vmem>>, vector<16xi32>,
    %get3A_167 = vector.shape_cast %get3A_166 : vector<16xi32> to vector<16xi32>
    %mul3A_168 = arith.constant 2 : i32
    %mul3A_169 = vector.broadcast %mul3A_168 : i32 to vector<16xi32>
    %mul3A_170 = arith.muli %get3A_167, %mul3A_169 : vector<16xi32>
    %add3A_171 = vector.broadcast %arg0 : i32 to vector<16xi32>
    %add3A_172 = arith.addi %mul3A_170, %add3A_171 : vector<16xi32>
    %swap3A_173 = arith.constant 0 : index
    %swap3A_174 = tpu.vector_load %arg9[%swap3A_173] {strides = array<i32>} : memref<128xi32, #tpu.memory_space<vmem>>, vector<16xi32>,
    %swap3A_175 = vector.shape_cast %swap3A_174 : vector<16xi32> to vector<16xi32>
    %swap3A_176 = vector.shape_cast %add3A_172 : vector<16xi32> to vector<16xi32>
    tpu.vector_store %arg9[%swap3A_173], %swap3A_176 {strides = array<i32>} : memref<128xi32, #tpu.memory_space<vmem>>, vector<16xi32>,
    %get3A_177 = arith.constant 128 : index
    %get3A_178 = tpu.vector_load %arg7[%get3A_177] {strides = array<i32>} : memref<20000xi32, #tpu.memory_space<vmem>>, vector<16xi32>,
    %get3A_179 = vector.shape_cast %get3A_178 : vector<16xi32> to vector<16xi32>
    %swap3A_180 = arith.constant 0 : index
    %swap3A_181 = tpu.vector_load %arg13[%swap3A_180] {strides = array<i32>} : memref<128xi32, #tpu.memory_space<vmem>>, vector<16xi32>,
    %swap3A_182 = vector.shape_cast %swap3A_181 : vector<16xi32> to vector<16xi32>
    %swap3A_183 = vector.shape_cast %get3A_179 : vector<16xi32> to vector<16xi32>
    tpu.vector_store %arg13[%swap3A_180], %swap3A_183 {strides = array<i32>} : memref<128xi32, #tpu.memory_space<vmem>>, vector<16xi32>,
    %get3A_184 = arith.constant 144 : index
    %get3A_185 = tpu.vector_load %arg6[%get3A_184] {strides = array<i32>} : memref<20000xi32, #tpu.memory_space<vmem>>, vector<16xi32>,
    %get3A_186 = vector.shape_cast %get3A_185 : vector<16xi32> to vector<16xi32>
    %mul3A_187 = arith.constant 2 : i32
    %mul3A_188 = vector.broadcast %mul3A_187 : i32 to vector<16xi32>
    %mul3A_189 = arith.muli %get3A_186, %mul3A_188 : vector<16xi32>
    %add3A_190 = vector.broadcast %arg0 : i32 to vector<16xi32>
    %add3A_191 = arith.addi %mul3A_189, %add3A_190 : vector<16xi32>
    %swap3A_192 = arith.constant 16 : index
    %swap3A_193 = tpu.vector_load %arg9[%swap3A_192] {strides = array<i32>} : memref<128xi32, #tpu.memory_space<vmem>>, vector<16xi32>,
    %swap3A_194 = vector.shape_cast %swap3A_193 : vector<16xi32> to vector<16xi32>
    %swap3A_195 = vector.shape_cast %add3A_191 : vector<16xi32> to vector<16xi32>
    tpu.vector_store %arg9[%swap3A_192], %swap3A_195 {strides = array<i32>} : memref<128xi32, #tpu.memory_space<vmem>>, vector<16xi32>,
    %get3A_196 = arith.constant 144 : index
    %get3A_197 = tpu.vector_load %arg7[%get3A_196] {strides = array<i32>} : memref<20000xi32, #tpu.memory_space<vmem>>, vector<16xi32>,
    %get3A_198 = vector.shape_cast %get3A_197 : vector<16xi32> to vector<16xi32>
    %swap3A_199 = arith.constant 16 : index
    %swap3A_200 = tpu.vector_load %arg13[%swap3A_199] {strides = array<i32>} : memref<128xi32, #tpu.memory_space<vmem>>, vector<16xi32>,
    %swap3A_201 = vector.shape_cast %swap3A_200 : vector<16xi32> to vector<16xi32>
    %swap3A_202 = vector.shape_cast %get3A_198 : vector<16xi32> to vector<16xi32>
    tpu.vector_store %arg13[%swap3A_199], %swap3A_202 {strides = array<i32>} : memref<128xi32, #tpu.memory_space<vmem>>, vector<16xi32>,
    %get3A_203 = arith.constant 160 : index
    %get3A_204 = tpu.vector_load %arg6[%get3A_203] {strides = array<i32>} : memref<20000xi32, #tpu.memory_space<vmem>>, vector<16xi32>,
    %get3A_205 = vector.shape_cast %get3A_204 : vector<16xi32> to vector<16xi32>
    %mul3A_206 = arith.constant 2 : i32
    %mul3A_207 = vector.broadcast %mul3A_206 : i32 to vector<16xi32>
    %mul3A_208 = arith.muli %get3A_205, %mul3A_207 : vector<16xi32>
    %add3A_209 = vector.broadcast %arg0 : i32 to vector<16xi32>
    %add3A_210 = arith.addi %mul3A_208, %add3A_209 : vector<16xi32>
    %swap3A_211 = arith.constant 32 : index
    %swap3A_212 = tpu.vector_load %arg9[%swap3A_211] {strides = array<i32>} : memref<128xi32, #tpu.memory_space<vmem>>, vector<16xi32>,
    %swap3A_213 = vector.shape_cast %swap3A_212 : vector<16xi32> to vector<16xi32>
    %swap3A_214 = vector.shape_cast %add3A_210 : vector<16xi32> to vector<16xi32>
    tpu.vector_store %arg9[%swap3A_211], %swap3A_214 {strides = array<i32>} : memref<128xi32, #tpu.memory_space<vmem>>, vector<16xi32>,
    %get3A_215 = arith.constant 160 : index
    %get3A_216 = tpu.vector_load %arg7[%get3A_215] {strides = array<i32>} : memref<20000xi32, #tpu.memory_space<vmem>>, vector<16xi32>,
    %get3A_217 = vector.shape_cast %get3A_216 : vector<16xi32> to vector<16xi32>
    %swap3A_218 = arith.constant 32 : index
    %swap3A_219 = tpu.vector_load %arg13[%swap3A_218] {strides = array<i32>} : memref<128xi32, #tpu.memory_space<vmem>>, vector<16xi32>,
    %swap3A_220 = vector.shape_cast %swap3A_219 : vector<16xi32> to vector<16xi32>
    %swap3A_221 = vector.shape_cast %get3A_217 : vector<16xi32> to vector<16xi32>
    tpu.vector_store %arg13[%swap3A_218], %swap3A_221 {strides = array<i32>} : memref<128xi32, #tpu.memory_space<vmem>>, vector<16xi32>,
    %get3A_222 = arith.constant 176 : index
    %get3A_223 = tpu.vector_load %arg6[%get3A_222] {strides = array<i32>} : memref<20000xi32, #tpu.memory_space<vmem>>, vector<16xi32>,
    %get3A_224 = vector.shape_cast %get3A_223 : vector<16xi32> to vector<16xi32>
    %mul3A_225 = arith.constant 2 : i32
    %mul3A_226 = vector.broadcast %mul3A_225 : i32 to vector<16xi32>
    %mul3A_227 = arith.muli %get3A_224, %mul3A_226 : vector<16xi32>
    %add3A_228 = vector.broadcast %arg0 : i32 to vector<16xi32>
    %add3A_229 = arith.addi %mul3A_227, %add3A_228 : vector<16xi32>
    %swap3A_230 = arith.constant 48 : index
    %swap3A_231 = tpu.vector_load %arg9[%swap3A_230] {strides = array<i32>} : memref<128xi32, #tpu.memory_space<vmem>>, vector<16xi32>,
    %swap3A_232 = vector.shape_cast %swap3A_231 : vector<16xi32> to vector<16xi32>
    %swap3A_233 = vector.shape_cast %add3A_229 : vector<16xi32> to vector<16xi32>
    tpu.vector_store %arg9[%swap3A_230], %swap3A_233 {strides = array<i32>} : memref<128xi32, #tpu.memory_space<vmem>>, vector<16xi32>,
    %get3A_234 = arith.constant 176 : index
    %get3A_235 = tpu.vector_load %arg7[%get3A_234] {strides = array<i32>} : memref<20000xi32, #tpu.memory_space<vmem>>, vector<16xi32>,
    %get3A_236 = vector.shape_cast %get3A_235 : vector<16xi32> to vector<16xi32>
    %swap3A_237 = arith.constant 48 : index
    %swap3A_238 = tpu.vector_load %arg13[%swap3A_237] {strides = array<i32>} : memref<128xi32, #tpu.memory_space<vmem>>, vector<16xi32>,
    %swap3A_239 = vector.shape_cast %swap3A_238 : vector<16xi32> to vector<16xi32>
    %swap3A_240 = vector.shape_cast %get3A_236 : vector<16xi32> to vector<16xi32>
    tpu.vector_store %arg13[%swap3A_237], %swap3A_240 {strides = array<i32>} : memref<128xi32, #tpu.memory_space<vmem>>, vector<16xi32>,
    %get3A_241 = arith.constant 192 : index
    %get3A_242 = tpu.vector_load %arg6[%get3A_241] {strides = array<i32>} : memref<20000xi32, #tpu.memory_space<vmem>>, vector<16xi32>,
    %get3A_243 = vector.shape_cast %get3A_242 : vector<16xi32> to vector<16xi32>
    %mul3A_244 = arith.constant 2 : i32
    %mul3A_245 = vector.broadcast %mul3A_244 : i32 to vector<16xi32>
    %mul3A_246 = arith.muli %get3A_243, %mul3A_245 : vector<16xi32>
    %add3A_247 = vector.broadcast %arg0 : i32 to vector<16xi32>
    %add3A_248 = arith.addi %mul3A_246, %add3A_247 : vector<16xi32>
    %swap3A_249 = arith.constant 64 : index
    %swap3A_250 = tpu.vector_load %arg9[%swap3A_249] {strides = array<i32>} : memref<128xi32, #tpu.memory_space<vmem>>, vector<16xi32>,
    %swap3A_251 = vector.shape_cast %swap3A_250 : vector<16xi32> to vector<16xi32>
    %swap3A_252 = vector.shape_cast %add3A_248 : vector<16xi32> to vector<16xi32>
    tpu.vector_store %arg9[%swap3A_249], %swap3A_252 {strides = array<i32>} : memref<128xi32, #tpu.memory_space<vmem>>, vector<16xi32>,
    %get3A_253 = arith.constant 192 : index
    %get3A_254 = tpu.vector_load %arg7[%get3A_253] {strides = array<i32>} : memref<20000xi32, #tpu.memory_space<vmem>>, vector<16xi32>,
    %get3A_255 = vector.shape_cast %get3A_254 : vector<16xi32> to vector<16xi32>
    %swap3A_256 = arith.constant 64 : index
    %swap3A_257 = tpu.vector_load %arg13[%swap3A_256] {strides = array<i32>} : memref<128xi32, #tpu.memory_space<vmem>>, vector<16xi32>,
    %swap3A_258 = vector.shape_cast %swap3A_257 : vector<16xi32> to vector<16xi32>
    %swap3A_259 = vector.shape_cast %get3A_255 : vector<16xi32> to vector<16xi32>
    tpu.vector_store %arg13[%swap3A_256], %swap3A_259 {strides = array<i32>} : memref<128xi32, #tpu.memory_space<vmem>>, vector<16xi32>,
    %get3A_260 = arith.constant 208 : index
    %get3A_261 = tpu.vector_load %arg6[%get3A_260] {strides = array<i32>} : memref<20000xi32, #tpu.memory_space<vmem>>, vector<16xi32>,
    %get3A_262 = vector.shape_cast %get3A_261 : vector<16xi32> to vector<16xi32>
    %mul3A_263 = arith.constant 2 : i32
    %mul3A_264 = vector.broadcast %mul3A_263 : i32 to vector<16xi32>
    %mul3A_265 = arith.muli %get3A_262, %mul3A_264 : vector<16xi32>
    %add3A_266 = vector.broadcast %arg0 : i32 to vector<16xi32>
    %add3A_267 = arith.addi %mul3A_265, %add3A_266 : vector<16xi32>
    %swap3A_268 = arith.constant 80 : index
    %swap3A_269 = tpu.vector_load %arg9[%swap3A_268] {strides = array<i32>} : memref<128xi32, #tpu.memory_space<vmem>>, vector<16xi32>,
    %swap3A_270 = vector.shape_cast %swap3A_269 : vector<16xi32> to vector<16xi32>
    %swap3A_271 = vector.shape_cast %add3A_267 : vector<16xi32> to vector<16xi32>
    tpu.vector_store %arg9[%swap3A_268], %swap3A_271 {strides = array<i32>} : memref<128xi32, #tpu.memory_space<vmem>>, vector<16xi32>,
    %get3A_272 = arith.constant 208 : index
    %get3A_273 = tpu.vector_load %arg7[%get3A_272] {strides = array<i32>} : memref<20000xi32, #tpu.memory_space<vmem>>, vector<16xi32>,
    %get3A_274 = vector.shape_cast %get3A_273 : vector<16xi32> to vector<16xi32>
    %swap3A_275 = arith.constant 80 : index
    %swap3A_276 = tpu.vector_load %arg13[%swap3A_275] {strides = array<i32>} : memref<128xi32, #tpu.memory_space<vmem>>, vector<16xi32>,
    %swap3A_277 = vector.shape_cast %swap3A_276 : vector<16xi32> to vector<16xi32>
    %swap3A_278 = vector.shape_cast %get3A_274 : vector<16xi32> to vector<16xi32>
    tpu.vector_store %arg13[%swap3A_275], %swap3A_278 {strides = array<i32>} : memref<128xi32, #tpu.memory_space<vmem>>, vector<16xi32>,
    %get3A_279 = arith.constant 224 : index
    %get3A_280 = tpu.vector_load %arg6[%get3A_279] {strides = array<i32>} : memref<20000xi32, #tpu.memory_space<vmem>>, vector<16xi32>,
    %get3A_281 = vector.shape_cast %get3A_280 : vector<16xi32> to vector<16xi32>
    %mul3A_282 = arith.constant 2 : i32
    %mul3A_283 = vector.broadcast %mul3A_282 : i32 to vector<16xi32>
    %mul3A_284 = arith.muli %get3A_281, %mul3A_283 : vector<16xi32>
    %add3A_285 = vector.broadcast %arg0 : i32 to vector<16xi32>
    %add3A_286 = arith.addi %mul3A_284, %add3A_285 : vector<16xi32>
    %swap3A_287 = arith.constant 96 : index
    %swap3A_288 = tpu.vector_load %arg9[%swap3A_287] {strides = array<i32>} : memref<128xi32, #tpu.memory_space<vmem>>, vector<16xi32>,
    %swap3A_289 = vector.shape_cast %swap3A_288 : vector<16xi32> to vector<16xi32>
    %swap3A_290 = vector.shape_cast %add3A_286 : vector<16xi32> to vector<16xi32>
    tpu.vector_store %arg9[%swap3A_287], %swap3A_290 {strides = array<i32>} : memref<128xi32, #tpu.memory_space<vmem>>, vector<16xi32>,
    %get3A_291 = arith.constant 224 : index
    %get3A_292 = tpu.vector_load %arg7[%get3A_291] {strides = array<i32>} : memref<20000xi32, #tpu.memory_space<vmem>>, vector<16xi32>,
    %get3A_293 = vector.shape_cast %get3A_292 : vector<16xi32> to vector<16xi32>
    %swap3A_294 = arith.constant 96 : index
    %swap3A_295 = tpu.vector_load %arg13[%swap3A_294] {strides = array<i32>} : memref<128xi32, #tpu.memory_space<vmem>>, vector<16xi32>,
    %swap3A_296 = vector.shape_cast %swap3A_295 : vector<16xi32> to vector<16xi32>
    %swap3A_297 = vector.shape_cast %get3A_293 : vector<16xi32> to vector<16xi32>
    tpu.vector_store %arg13[%swap3A_294], %swap3A_297 {strides = array<i32>} : memref<128xi32, #tpu.memory_space<vmem>>, vector<16xi32>,
    %get3A_298 = arith.constant 240 : index
    %get3A_299 = tpu.vector_load %arg6[%get3A_298] {strides = array<i32>} : memref<20000xi32, #tpu.memory_space<vmem>>, vector<16xi32>,
    %get3A_300 = vector.shape_cast %get3A_299 : vector<16xi32> to vector<16xi32>
    %mul3A_301 = arith.constant 2 : i32
    %mul3A_302 = vector.broadcast %mul3A_301 : i32 to vector<16xi32>
    %mul3A_303 = arith.muli %get3A_300, %mul3A_302 : vector<16xi32>
    %add3A_304 = vector.broadcast %arg0 : i32 to vector<16xi32>
    %add3A_305 = arith.addi %mul3A_303, %add3A_304 : vector<16xi32>
    %swap3A_306 = arith.constant 112 : index
    %swap3A_307 = tpu.vector_load %arg9[%swap3A_306] {strides = array<i32>} : memref<128xi32, #tpu.memory_space<vmem>>, vector<16xi32>,
    %swap3A_308 = vector.shape_cast %swap3A_307 : vector<16xi32> to vector<16xi32>
    %swap3A_309 = vector.shape_cast %add3A_305 : vector<16xi32> to vector<16xi32>
    tpu.vector_store %arg9[%swap3A_306], %swap3A_309 {strides = array<i32>} : memref<128xi32, #tpu.memory_space<vmem>>, vector<16xi32>,
    %get3A_310 = arith.constant 240 : index
    %get3A_311 = tpu.vector_load %arg7[%get3A_310] {strides = array<i32>} : memref<20000xi32, #tpu.memory_space<vmem>>, vector<16xi32>,
    %get3A_312 = vector.shape_cast %get3A_311 : vector<16xi32> to vector<16xi32>
    %swap3A_313 = arith.constant 112 : index
    %swap3A_314 = tpu.vector_load %arg13[%swap3A_313] {strides = array<i32>} : memref<128xi32, #tpu.memory_space<vmem>>, vector<16xi32>,
    %swap3A_315 = vector.shape_cast %swap3A_314 : vector<16xi32> to vector<16xi32>
    %swap3A_316 = vector.shape_cast %get3A_312 : vector<16xi32> to vector<16xi32>
    tpu.vector_store %arg13[%swap3A_313], %swap3A_316 {strides = array<i32>} : memref<128xi32, #tpu.memory_space<vmem>>, vector<16xi32>,
    %dma_start3A_317 = arith.constant 0 : i32
    %dma_start3A_318 = arith.constant 0 : i32
    %dma_start3A_319 = tpu.memref_slice %arg2[%dma_start3A_317, %dma_start3A_318] : memref<20000x64xf32, #tpu.memory_space<hbm>> -> memref<20000x64xf32, #tpu.memory_space<hbm>>
    tpu.enqueue_indirect_dma source(%dma_start3A_319 : memref<20000x64xf32, #tpu.memory_space<hbm>>) target(%arg17 : memref<128x64xf32, #tpu.memory_space<vmem>>) offsets(%arg9 : memref<128xi32, #tpu.memory_space<vmem>>) semaphore(%arg26 : memref<!tpu.dma_semaphore, #tpu.memory_space<semaphore_mem>>)
    %get3A_320 = arith.constant 256 : index
    %get3A_321 = tpu.vector_load %arg6[%get3A_320] {strides = array<i32>} : memref<20000xi32, #tpu.memory_space<vmem>>, vector<16xi32>,
    %get3A_322 = vector.shape_cast %get3A_321 : vector<16xi32> to vector<16xi32>
    %mul3A_323 = arith.constant 2 : i32
    %mul3A_324 = vector.broadcast %mul3A_323 : i32 to vector<16xi32>
    %mul3A_325 = arith.muli %get3A_322, %mul3A_324 : vector<16xi32>
    %add3A_326 = vector.broadcast %arg0 : i32 to vector<16xi32>
    %add3A_327 = arith.addi %mul3A_325, %add3A_326 : vector<16xi32>
    %swap3A_328 = arith.constant 0 : index
    %swap3A_329 = tpu.vector_load %arg10[%swap3A_328] {strides = array<i32>} : memref<128xi32, #tpu.memory_space<vmem>>, vector<16xi32>,
    %swap3A_330 = vector.shape_cast %swap3A_329 : vector<16xi32> to vector<16xi32>
    %swap3A_331 = vector.shape_cast %add3A_327 : vector<16xi32> to vector<16xi32>
    tpu.vector_store %arg10[%swap3A_328], %swap3A_331 {strides = array<i32>} : memref<128xi32, #tpu.memory_space<vmem>>, vector<16xi32>,
    %get3A_332 = arith.constant 256 : index
    %get3A_333 = tpu.vector_load %arg7[%get3A_332] {strides = array<i32>} : memref<20000xi32, #tpu.memory_space<vmem>>, vector<16xi32>,
    %get3A_334 = vector.shape_cast %get3A_333 : vector<16xi32> to vector<16xi32>
    %swap3A_335 = arith.constant 0 : index
    %swap3A_336 = tpu.vector_load %arg14[%swap3A_335] {strides = array<i32>} : memref<128xi32, #tpu.memory_space<vmem>>, vector<16xi32>,
    %swap3A_337 = vector.shape_cast %swap3A_336 : vector<16xi32> to vector<16xi32>
    %swap3A_338 = vector.shape_cast %get3A_334 : vector<16xi32> to vector<16xi32>
    tpu.vector_store %arg14[%swap3A_335], %swap3A_338 {strides = array<i32>} : memref<128xi32, #tpu.memory_space<vmem>>, vector<16xi32>,
    %get3A_339 = arith.constant 272 : index
    %get3A_340 = tpu.vector_load %arg6[%get3A_339] {strides = array<i32>} : memref<20000xi32, #tpu.memory_space<vmem>>, vector<16xi32>,
    %get3A_341 = vector.shape_cast %get3A_340 : vector<16xi32> to vector<16xi32>
    %mul3A_342 = arith.constant 2 : i32
    %mul3A_343 = vector.broadcast %mul3A_342 : i32 to vector<16xi32>
    %mul3A_344 = arith.muli %get3A_341, %mul3A_343 : vector<16xi32>
    %add3A_345 = vector.broadcast %arg0 : i32 to vector<16xi32>
    %add3A_346 = arith.addi %mul3A_344, %add3A_345 : vector<16xi32>
    %swap3A_347 = arith.constant 16 : index
    %swap3A_348 = tpu.vector_load %arg10[%swap3A_347] {strides = array<i32>} : memref<128xi32, #tpu.memory_space<vmem>>, vector<16xi32>,
    %swap3A_349 = vector.shape_cast %swap3A_348 : vector<16xi32> to vector<16xi32>
    %swap3A_350 = vector.shape_cast %add3A_346 : vector<16xi32> to vector<16xi32>
    tpu.vector_store %arg10[%swap3A_347], %swap3A_350 {strides = array<i32>} : memref<128xi32, #tpu.memory_space<vmem>>, vector<16xi32>,
    %get3A_351 = arith.constant 272 : index
    %get3A_352 = tpu.vector_load %arg7[%get3A_351] {strides = array<i32>} : memref<20000xi32, #tpu.memory_space<vmem>>, vector<16xi32>,
    %get3A_353 = vector.shape_cast %get3A_352 : vector<16xi32> to vector<16xi32>
    %swap3A_354 = arith.constant 16 : index
    %swap3A_355 = tpu.vector_load %arg14[%swap3A_354] {strides = array<i32>} : memref<128xi32, #tpu.memory_space<vmem>>, vector<16xi32>,
    %swap3A_356 = vector.shape_cast %swap3A_355 : vector<16xi32> to vector<16xi32>
    %swap3A_357 = vector.shape_cast %get3A_353 : vector<16xi32> to vector<16xi32>
    tpu.vector_store %arg14[%swap3A_354], %swap3A_357 {strides = array<i32>} : memref<128xi32, #tpu.memory_space<vmem>>, vector<16xi32>,
    %get3A_358 = arith.constant 288 : index
    %get3A_359 = tpu.vector_load %arg6[%get3A_358] {strides = array<i32>} : memref<20000xi32, #tpu.memory_space<vmem>>, vector<16xi32>,
    %get3A_360 = vector.shape_cast %get3A_359 : vector<16xi32> to vector<16xi32>
    %mul3A_361 = arith.constant 2 : i32
    %mul3A_362 = vector.broadcast %mul3A_361 : i32 to vector<16xi32>
    %mul3A_363 = arith.muli %get3A_360, %mul3A_362 : vector<16xi32>
    %add3A_364 = vector.broadcast %arg0 : i32 to vector<16xi32>
    %add3A_365 = arith.addi %mul3A_363, %add3A_364 : vector<16xi32>
    %swap3A_366 = arith.constant 32 : index
    %swap3A_367 = tpu.vector_load %arg10[%swap3A_366] {strides = array<i32>} : memref<128xi32, #tpu.memory_space<vmem>>, vector<16xi32>,
    %swap3A_368 = vector.shape_cast %swap3A_367 : vector<16xi32> to vector<16xi32>
    %swap3A_369 = vector.shape_cast %add3A_365 : vector<16xi32> to vector<16xi32>
    tpu.vector_store %arg10[%swap3A_366], %swap3A_369 {strides = array<i32>} : memref<128xi32, #tpu.memory_space<vmem>>, vector<16xi32>,
    %get3A_370 = arith.constant 288 : index
    %get3A_371 = tpu.vector_load %arg7[%get3A_370] {strides = array<i32>} : memref<20000xi32, #tpu.memory_space<vmem>>, vector<16xi32>,
    %get3A_372 = vector.shape_cast %get3A_371 : vector<16xi32> to vector<16xi32>
    %swap3A_373 = arith.constant 32 : index
    %swap3A_374 = tpu.vector_load %arg14[%swap3A_373] {strides = array<i32>} : memref<128xi32, #tpu.memory_space<vmem>>, vector<16xi32>,
    %swap3A_375 = vector.shape_cast %swap3A_374 : vector<16xi32> to vector<16xi32>
    %swap3A_376 = vector.shape_cast %get3A_372 : vector<16xi32> to vector<16xi32>
    tpu.vector_store %arg14[%swap3A_373], %swap3A_376 {strides = array<i32>} : memref<128xi32, #tpu.memory_space<vmem>>, vector<16xi32>,
    %get3A_377 = arith.constant 304 : index
    %get3A_378 = tpu.vector_load %arg6[%get3A_377] {strides = array<i32>} : memref<20000xi32, #tpu.memory_space<vmem>>, vector<16xi32>,
    %get3A_379 = vector.shape_cast %get3A_378 : vector<16xi32> to vector<16xi32>
    %mul3A_380 = arith.constant 2 : i32
    %mul3A_381 = vector.broadcast %mul3A_380 : i32 to vector<16xi32>
    %mul3A_382 = arith.muli %get3A_379, %mul3A_381 : vector<16xi32>
    %add3A_383 = vector.broadcast %arg0 : i32 to vector<16xi32>
    %add3A_384 = arith.addi %mul3A_382, %add3A_383 : vector<16xi32>
    %swap3A_385 = arith.constant 48 : index
    %swap3A_386 = tpu.vector_load %arg10[%swap3A_385] {strides = array<i32>} : memref<128xi32, #tpu.memory_space<vmem>>, vector<16xi32>,
    %swap3A_387 = vector.shape_cast %swap3A_386 : vector<16xi32> to vector<16xi32>
    %swap3A_388 = vector.shape_cast %add3A_384 : vector<16xi32> to vector<16xi32>
    tpu.vector_store %arg10[%swap3A_385], %swap3A_388 {strides = array<i32>} : memref<128xi32, #tpu.memory_space<vmem>>, vector<16xi32>,
    %get3A_389 = arith.constant 304 : index
    %get3A_390 = tpu.vector_load %arg7[%get3A_389] {strides = array<i32>} : memref<20000xi32, #tpu.memory_space<vmem>>, vector<16xi32>,
    %get3A_391 = vector.shape_cast %get3A_390 : vector<16xi32> to vector<16xi32>
    %swap3A_392 = arith.constant 48 : index
    %swap3A_393 = tpu.vector_load %arg14[%swap3A_392] {strides = array<i32>} : memref<128xi32, #tpu.memory_space<vmem>>, vector<16xi32>,
    %swap3A_394 = vector.shape_cast %swap3A_393 : vector<16xi32> to vector<16xi32>
    %swap3A_395 = vector.shape_cast %get3A_391 : vector<16xi32> to vector<16xi32>
    tpu.vector_store %arg14[%swap3A_392], %swap3A_395 {strides = array<i32>} : memref<128xi32, #tpu.memory_space<vmem>>, vector<16xi32>,
    %get3A_396 = arith.constant 320 : index
    %get3A_397 = tpu.vector_load %arg6[%get3A_396] {strides = array<i32>} : memref<20000xi32, #tpu.memory_space<vmem>>, vector<16xi32>,
    %get3A_398 = vector.shape_cast %get3A_397 : vector<16xi32> to vector<16xi32>
    %mul3A_399 = arith.constant 2 : i32
    %mul3A_400 = vector.broadcast %mul3A_399 : i32 to vector<16xi32>
    %mul3A_401 = arith.muli %get3A_398, %mul3A_400 : vector<16xi32>
    %add3A_402 = vector.broadcast %arg0 : i32 to vector<16xi32>
    %add3A_403 = arith.addi %mul3A_401, %add3A_402 : vector<16xi32>
    %swap3A_404 = arith.constant 64 : index
    %swap3A_405 = tpu.vector_load %arg10[%swap3A_404] {strides = array<i32>} : memref<128xi32, #tpu.memory_space<vmem>>, vector<16xi32>,
    %swap3A_406 = vector.shape_cast %swap3A_405 : vector<16xi32> to vector<16xi32>
    %swap3A_407 = vector.shape_cast %add3A_403 : vector<16xi32> to vector<16xi32>
    tpu.vector_store %arg10[%swap3A_404], %swap3A_407 {strides = array<i32>} : memref<128xi32, #tpu.memory_space<vmem>>, vector<16xi32>,
    %get3A_408 = arith.constant 320 : index
    %get3A_409 = tpu.vector_load %arg7[%get3A_408] {strides = array<i32>} : memref<20000xi32, #tpu.memory_space<vmem>>, vector<16xi32>,
    %get3A_410 = vector.shape_cast %get3A_409 : vector<16xi32> to vector<16xi32>
    %swap3A_411 = arith.constant 64 : index
    %swap3A_412 = tpu.vector_load %arg14[%swap3A_411] {strides = array<i32>} : memref<128xi32, #tpu.memory_space<vmem>>, vector<16xi32>,
    %swap3A_413 = vector.shape_cast %swap3A_412 : vector<16xi32> to vector<16xi32>
    %swap3A_414 = vector.shape_cast %get3A_410 : vector<16xi32> to vector<16xi32>
    tpu.vector_store %arg14[%swap3A_411], %swap3A_414 {strides = array<i32>} : memref<128xi32, #tpu.memory_space<vmem>>, vector<16xi32>,
    %get3A_415 = arith.constant 336 : index
    %get3A_416 = tpu.vector_load %arg6[%get3A_415] {strides = array<i32>} : memref<20000xi32, #tpu.memory_space<vmem>>, vector<16xi32>,
    %get3A_417 = vector.shape_cast %get3A_416 : vector<16xi32> to vector<16xi32>
    %mul3A_418 = arith.constant 2 : i32
    %mul3A_419 = vector.broadcast %mul3A_418 : i32 to vector<16xi32>
    %mul3A_420 = arith.muli %get3A_417, %mul3A_419 : vector<16xi32>
    %add3A_421 = vector.broadcast %arg0 : i32 to vector<16xi32>
    %add3A_422 = arith.addi %mul3A_420, %add3A_421 : vector<16xi32>
    %swap3A_423 = arith.constant 80 : index
    %swap3A_424 = tpu.vector_load %arg10[%swap3A_423] {strides = array<i32>} : memref<128xi32, #tpu.memory_space<vmem>>, vector<16xi32>,
    %swap3A_425 = vector.shape_cast %swap3A_424 : vector<16xi32> to vector<16xi32>
    %swap3A_426 = vector.shape_cast %add3A_422 : vector<16xi32> to vector<16xi32>
    tpu.vector_store %arg10[%swap3A_423], %swap3A_426 {strides = array<i32>} : memref<128xi32, #tpu.memory_space<vmem>>, vector<16xi32>,
    %get3A_427 = arith.constant 336 : index
    %get3A_428 = tpu.vector_load %arg7[%get3A_427] {strides = array<i32>} : memref<20000xi32, #tpu.memory_space<vmem>>, vector<16xi32>,
    %get3A_429 = vector.shape_cast %get3A_428 : vector<16xi32> to vector<16xi32>
    %swap3A_430 = arith.constant 80 : index
    %swap3A_431 = tpu.vector_load %arg14[%swap3A_430] {strides = array<i32>} : memref<128xi32, #tpu.memory_space<vmem>>, vector<16xi32>,
    %swap3A_432 = vector.shape_cast %swap3A_431 : vector<16xi32> to vector<16xi32>
    %swap3A_433 = vector.shape_cast %get3A_429 : vector<16xi32> to vector<16xi32>
    tpu.vector_store %arg14[%swap3A_430], %swap3A_433 {strides = array<i32>} : memref<128xi32, #tpu.memory_space<vmem>>, vector<16xi32>,
    %get3A_434 = arith.constant 352 : index
    %get3A_435 = tpu.vector_load %arg6[%get3A_434] {strides = array<i32>} : memref<20000xi32, #tpu.memory_space<vmem>>, vector<16xi32>,
    %get3A_436 = vector.shape_cast %get3A_435 : vector<16xi32> to vector<16xi32>
    %mul3A_437 = arith.constant 2 : i32
    %mul3A_438 = vector.broadcast %mul3A_437 : i32 to vector<16xi32>
    %mul3A_439 = arith.muli %get3A_436, %mul3A_438 : vector<16xi32>
    %add3A_440 = vector.broadcast %arg0 : i32 to vector<16xi32>
    %add3A_441 = arith.addi %mul3A_439, %add3A_440 : vector<16xi32>
    %swap3A_442 = arith.constant 96 : index
    %swap3A_443 = tpu.vector_load %arg10[%swap3A_442] {strides = array<i32>} : memref<128xi32, #tpu.memory_space<vmem>>, vector<16xi32>,
    %swap3A_444 = vector.shape_cast %swap3A_443 : vector<16xi32> to vector<16xi32>
    %swap3A_445 = vector.shape_cast %add3A_441 : vector<16xi32> to vector<16xi32>
    tpu.vector_store %arg10[%swap3A_442], %swap3A_445 {strides = array<i32>} : memref<128xi32, #tpu.memory_space<vmem>>, vector<16xi32>,
    %get3A_446 = arith.constant 352 : index
    %get3A_447 = tpu.vector_load %arg7[%get3A_446] {strides = array<i32>} : memref<20000xi32, #tpu.memory_space<vmem>>, vector<16xi32>,
    %get3A_448 = vector.shape_cast %get3A_447 : vector<16xi32> to vector<16xi32>
    %swap3A_449 = arith.constant 96 : index
    %swap3A_450 = tpu.vector_load %arg14[%swap3A_449] {strides = array<i32>} : memref<128xi32, #tpu.memory_space<vmem>>, vector<16xi32>,
    %swap3A_451 = vector.shape_cast %swap3A_450 : vector<16xi32> to vector<16xi32>
    %swap3A_452 = vector.shape_cast %get3A_448 : vector<16xi32> to vector<16xi32>
    tpu.vector_store %arg14[%swap3A_449], %swap3A_452 {strides = array<i32>} : memref<128xi32, #tpu.memory_space<vmem>>, vector<16xi32>,
    %get3A_453 = arith.constant 368 : index
    %get3A_454 = tpu.vector_load %arg6[%get3A_453] {strides = array<i32>} : memref<20000xi32, #tpu.memory_space<vmem>>, vector<16xi32>,
    %get3A_455 = vector.shape_cast %get3A_454 : vector<16xi32> to vector<16xi32>
    %mul3A_456 = arith.constant 2 : i32
    %mul3A_457 = vector.broadcast %mul3A_456 : i32 to vector<16xi32>
    %mul3A_458 = arith.muli %get3A_455, %mul3A_457 : vector<16xi32>
    %add3A_459 = vector.broadcast %arg0 : i32 to vector<16xi32>
    %add3A_460 = arith.addi %mul3A_458, %add3A_459 : vector<16xi32>
    %swap3A_461 = arith.constant 112 : index
    %swap3A_462 = tpu.vector_load %arg10[%swap3A_461] {strides = array<i32>} : memref<128xi32, #tpu.memory_space<vmem>>, vector<16xi32>,
    %swap3A_463 = vector.shape_cast %swap3A_462 : vector<16xi32> to vector<16xi32>
    %swap3A_464 = vector.shape_cast %add3A_460 : vector<16xi32> to vector<16xi32>
    tpu.vector_store %arg10[%swap3A_461], %swap3A_464 {strides = array<i32>} : memref<128xi32, #tpu.memory_space<vmem>>, vector<16xi32>,
    %get3A_465 = arith.constant 368 : index
    %get3A_466 = tpu.vector_load %arg7[%get3A_465] {strides = array<i32>} : memref<20000xi32, #tpu.memory_space<vmem>>, vector<16xi32>,
    %get3A_467 = vector.shape_cast %get3A_466 : vector<16xi32> to vector<16xi32>
    %swap3A_468 = arith.constant 112 : index
    %swap3A_469 = tpu.vector_load %arg14[%swap3A_468] {strides = array<i32>} : memref<128xi32, #tpu.memory_space<vmem>>, vector<16xi32>,
    %swap3A_470 = vector.shape_cast %swap3A_469 : vector<16xi32> to vector<16xi32>
    %swap3A_471 = vector.shape_cast %get3A_467 : vector<16xi32> to vector<16xi32>
    tpu.vector_store %arg14[%swap3A_468], %swap3A_471 {strides = array<i32>} : memref<128xi32, #tpu.memory_space<vmem>>, vector<16xi32>,
    %dma_start3A_472 = arith.constant 0 : i32
    %dma_start3A_473 = arith.constant 0 : i32
    %dma_start3A_474 = tpu.memref_slice %arg2[%dma_start3A_472, %dma_start3A_473] : memref<20000x64xf32, #tpu.memory_space<hbm>> -> memref<20000x64xf32, #tpu.memory_space<hbm>>
    tpu.enqueue_indirect_dma source(%dma_start3A_474 : memref<20000x64xf32, #tpu.memory_space<hbm>>) target(%arg18 : memref<128x64xf32, #tpu.memory_space<vmem>>) offsets(%arg10 : memref<128xi32, #tpu.memory_space<vmem>>) semaphore(%arg27 : memref<!tpu.dma_semaphore, #tpu.memory_space<semaphore_mem>>)
    %get3A_475 = arith.constant 384 : index
    %get3A_476 = tpu.vector_load %arg6[%get3A_475] {strides = array<i32>} : memref<20000xi32, #tpu.memory_space<vmem>>, vector<16xi32>,
    %get3A_477 = vector.shape_cast %get3A_476 : vector<16xi32> to vector<16xi32>
    %mul3A_478 = arith.constant 2 : i32
    %mul3A_479 = vector.broadcast %mul3A_478 : i32 to vector<16xi32>
    %mul3A_480 = arith.muli %get3A_477, %mul3A_479 : vector<16xi32>
    %add3A_481 = vector.broadcast %arg0 : i32 to vector<16xi32>
    %add3A_482 = arith.addi %mul3A_480, %add3A_481 : vector<16xi32>
    %swap3A_483 = arith.constant 0 : index
    %swap3A_484 = tpu.vector_load %arg11[%swap3A_483] {strides = array<i32>} : memref<128xi32, #tpu.memory_space<vmem>>, vector<16xi32>,
    %swap3A_485 = vector.shape_cast %swap3A_484 : vector<16xi32> to vector<16xi32>
    %swap3A_486 = vector.shape_cast %add3A_482 : vector<16xi32> to vector<16xi32>
    tpu.vector_store %arg11[%swap3A_483], %swap3A_486 {strides = array<i32>} : memref<128xi32, #tpu.memory_space<vmem>>, vector<16xi32>,
    %get3A_487 = arith.constant 384 : index
    %get3A_488 = tpu.vector_load %arg7[%get3A_487] {strides = array<i32>} : memref<20000xi32, #tpu.memory_space<vmem>>, vector<16xi32>,
    %get3A_489 = vector.shape_cast %get3A_488 : vector<16xi32> to vector<16xi32>
    %swap3A_490 = arith.constant 0 : index
    %swap3A_491 = tpu.vector_load %arg15[%swap3A_490] {strides = array<i32>} : memref<128xi32, #tpu.memory_space<vmem>>, vector<16xi32>,
    %swap3A_492 = vector.shape_cast %swap3A_491 : vector<16xi32> to vector<16xi32>
    %swap3A_493 = vector.shape_cast %get3A_489 : vector<16xi32> to vector<16xi32>
    tpu.vector_store %arg15[%swap3A_490], %swap3A_493 {strides = array<i32>} : memref<128xi32, #tpu.memory_space<vmem>>, vector<16xi32>,
    %get3A_494 = arith.constant 400 : index
    %get3A_495 = tpu.vector_load %arg6[%get3A_494] {strides = array<i32>} : memref<20000xi32, #tpu.memory_space<vmem>>, vector<16xi32>,
    %get3A_496 = vector.shape_cast %get3A_495 : vector<16xi32> to vector<16xi32>
    %mul3A_497 = arith.constant 2 : i32
    %mul3A_498 = vector.broadcast %mul3A_497 : i32 to vector<16xi32>
    %mul3A_499 = arith.muli %get3A_496, %mul3A_498 : vector<16xi32>
    %add3A_500 = vector.broadcast %arg0 : i32 to vector<16xi32>
    %add3A_501 = arith.addi %mul3A_499, %add3A_500 : vector<16xi32>
    %swap3A_502 = arith.constant 16 : index
    %swap3A_503 = tpu.vector_load %arg11[%swap3A_502] {strides = array<i32>} : memref<128xi32, #tpu.memory_space<vmem>>, vector<16xi32>,
    %swap3A_504 = vector.shape_cast %swap3A_503 : vector<16xi32> to vector<16xi32>
    %swap3A_505 = vector.shape_cast %add3A_501 : vector<16xi32> to vector<16xi32>
    tpu.vector_store %arg11[%swap3A_502], %swap3A_505 {strides = array<i32>} : memref<128xi32, #tpu.memory_space<vmem>>, vector<16xi32>,
    %get3A_506 = arith.constant 400 : index
    %get3A_507 = tpu.vector_load %arg7[%get3A_506] {strides = array<i32>} : memref<20000xi32, #tpu.memory_space<vmem>>, vector<16xi32>,
    %get3A_508 = vector.shape_cast %get3A_507 : vector<16xi32> to vector<16xi32>
    %swap3A_509 = arith.constant 16 : index
    %swap3A_510 = tpu.vector_load %arg15[%swap3A_509] {strides = array<i32>} : memref<128xi32, #tpu.memory_space<vmem>>, vector<16xi32>,
    %swap3A_511 = vector.shape_cast %swap3A_510 : vector<16xi32> to vector<16xi32>
    %swap3A_512 = vector.shape_cast %get3A_508 : vector<16xi32> to vector<16xi32>
    tpu.vector_store %arg15[%swap3A_509], %swap3A_512 {strides = array<i32>} : memref<128xi32, #tpu.memory_space<vmem>>, vector<16xi32>,
    %get3A_513 = arith.constant 416 : index
    %get3A_514 = tpu.vector_load %arg6[%get3A_513] {strides = array<i32>} : memref<20000xi32, #tpu.memory_space<vmem>>, vector<16xi32>,
    %get3A_515 = vector.shape_cast %get3A_514 : vector<16xi32> to vector<16xi32>
    %mul3A_516 = arith.constant 2 : i32
    %mul3A_517 = vector.broadcast %mul3A_516 : i32 to vector<16xi32>
    %mul3A_518 = arith.muli %get3A_515, %mul3A_517 : vector<16xi32>
    %add3A_519 = vector.broadcast %arg0 : i32 to vector<16xi32>
    %add3A_520 = arith.addi %mul3A_518, %add3A_519 : vector<16xi32>
    %swap3A_521 = arith.constant 32 : index
    %swap3A_522 = tpu.vector_load %arg11[%swap3A_521] {strides = array<i32>} : memref<128xi32, #tpu.memory_space<vmem>>, vector<16xi32>,
    %swap3A_523 = vector.shape_cast %swap3A_522 : vector<16xi32> to vector<16xi32>
    %swap3A_524 = vector.shape_cast %add3A_520 : vector<16xi32> to vector<16xi32>
    tpu.vector_store %arg11[%swap3A_521], %swap3A_524 {strides = array<i32>} : memref<128xi32, #tpu.memory_space<vmem>>, vector<16xi32>,
    %get3A_525 = arith.constant 416 : index
    %get3A_526 = tpu.vector_load %arg7[%get3A_525] {strides = array<i32>} : memref<20000xi32, #tpu.memory_space<vmem>>, vector<16xi32>,
    %get3A_527 = vector.shape_cast %get3A_526 : vector<16xi32> to vector<16xi32>
    %swap3A_528 = arith.constant 32 : index
    %swap3A_529 = tpu.vector_load %arg15[%swap3A_528] {strides = array<i32>} : memref<128xi32, #tpu.memory_space<vmem>>, vector<16xi32>,
    %swap3A_530 = vector.shape_cast %swap3A_529 : vector<16xi32> to vector<16xi32>
    %swap3A_531 = vector.shape_cast %get3A_527 : vector<16xi32> to vector<16xi32>
    tpu.vector_store %arg15[%swap3A_528], %swap3A_531 {strides = array<i32>} : memref<128xi32, #tpu.memory_space<vmem>>, vector<16xi32>,
    %get3A_532 = arith.constant 432 : index
    %get3A_533 = tpu.vector_load %arg6[%get3A_532] {strides = array<i32>} : memref<20000xi32, #tpu.memory_space<vmem>>, vector<16xi32>,
    %get3A_534 = vector.shape_cast %get3A_533 : vector<16xi32> to vector<16xi32>
    %mul3A_535 = arith.constant 2 : i32
    %mul3A_536 = vector.broadcast %mul3A_535 : i32 to vector<16xi32>
    %mul3A_537 = arith.muli %get3A_534, %mul3A_536 : vector<16xi32>
    %add3A_538 = vector.broadcast %arg0 : i32 to vector<16xi32>
    %add3A_539 = arith.addi %mul3A_537, %add3A_538 : vector<16xi32>
    %swap3A_540 = arith.constant 48 : index
    %swap3A_541 = tpu.vector_load %arg11[%swap3A_540] {strides = array<i32>} : memref<128xi32, #tpu.memory_space<vmem>>, vector<16xi32>,
    %swap3A_542 = vector.shape_cast %swap3A_541 : vector<16xi32> to vector<16xi32>
    %swap3A_543 = vector.shape_cast %add3A_539 : vector<16xi32> to vector<16xi32>
    tpu.vector_store %arg11[%swap3A_540], %swap3A_543 {strides = array<i32>} : memref<128xi32, #tpu.memory_space<vmem>>, vector<16xi32>,
    %get3A_544 = arith.constant 432 : index
    %get3A_545 = tpu.vector_load %arg7[%get3A_544] {strides = array<i32>} : memref<20000xi32, #tpu.memory_space<vmem>>, vector<16xi32>,
    %get3A_546 = vector.shape_cast %get3A_545 : vector<16xi32> to vector<16xi32>
    %swap3A_547 = arith.constant 48 : index
    %swap3A_548 = tpu.vector_load %arg15[%swap3A_547] {strides = array<i32>} : memref<128xi32, #tpu.memory_space<vmem>>, vector<16xi32>,
    %swap3A_549 = vector.shape_cast %swap3A_548 : vector<16xi32> to vector<16xi32>
    %swap3A_550 = vector.shape_cast %get3A_546 : vector<16xi32> to vector<16xi32>
    tpu.vector_store %arg15[%swap3A_547], %swap3A_550 {strides = array<i32>} : memref<128xi32, #tpu.memory_space<vmem>>, vector<16xi32>,
    %get3A_551 = arith.constant 448 : index
    %get3A_552 = tpu.vector_load %arg6[%get3A_551] {strides = array<i32>} : memref<20000xi32, #tpu.memory_space<vmem>>, vector<16xi32>,
    %get3A_553 = vector.shape_cast %get3A_552 : vector<16xi32> to vector<16xi32>
    %mul3A_554 = arith.constant 2 : i32
    %mul3A_555 = vector.broadcast %mul3A_554 : i32 to vector<16xi32>
    %mul3A_556 = arith.muli %get3A_553, %mul3A_555 : vector<16xi32>
    %add3A_557 = vector.broadcast %arg0 : i32 to vector<16xi32>
    %add3A_558 = arith.addi %mul3A_556, %add3A_557 : vector<16xi32>
    %swap3A_559 = arith.constant 64 : index
    %swap3A_560 = tpu.vector_load %arg11[%swap3A_559] {strides = array<i32>} : memref<128xi32, #tpu.memory_space<vmem>>, vector<16xi32>,
    %swap3A_561 = vector.shape_cast %swap3A_560 : vector<16xi32> to vector<16xi32>
    %swap3A_562 = vector.shape_cast %add3A_558 : vector<16xi32> to vector<16xi32>
    tpu.vector_store %arg11[%swap3A_559], %swap3A_562 {strides = array<i32>} : memref<128xi32, #tpu.memory_space<vmem>>, vector<16xi32>,
    %get3A_563 = arith.constant 448 : index
    %get3A_564 = tpu.vector_load %arg7[%get3A_563] {strides = array<i32>} : memref<20000xi32, #tpu.memory_space<vmem>>, vector<16xi32>,
    %get3A_565 = vector.shape_cast %get3A_564 : vector<16xi32> to vector<16xi32>
    %swap3A_566 = arith.constant 64 : index
    %swap3A_567 = tpu.vector_load %arg15[%swap3A_566] {strides = array<i32>} : memref<128xi32, #tpu.memory_space<vmem>>, vector<16xi32>,
    %swap3A_568 = vector.shape_cast %swap3A_567 : vector<16xi32> to vector<16xi32>
    %swap3A_569 = vector.shape_cast %get3A_565 : vector<16xi32> to vector<16xi32>
    tpu.vector_store %arg15[%swap3A_566], %swap3A_569 {strides = array<i32>} : memref<128xi32, #tpu.memory_space<vmem>>, vector<16xi32>,
    %get3A_570 = arith.constant 464 : index
    %get3A_571 = tpu.vector_load %arg6[%get3A_570] {strides = array<i32>} : memref<20000xi32, #tpu.memory_space<vmem>>, vector<16xi32>,
    %get3A_572 = vector.shape_cast %get3A_571 : vector<16xi32> to vector<16xi32>
    %mul3A_573 = arith.constant 2 : i32
    %mul3A_574 = vector.broadcast %mul3A_573 : i32 to vector<16xi32>
    %mul3A_575 = arith.muli %get3A_572, %mul3A_574 : vector<16xi32>
    %add3A_576 = vector.broadcast %arg0 : i32 to vector<16xi32>
    %add3A_577 = arith.addi %mul3A_575, %add3A_576 : vector<16xi32>
    %swap3A_578 = arith.constant 80 : index
    %swap3A_579 = tpu.vector_load %arg11[%swap3A_578] {strides = array<i32>} : memref<128xi32, #tpu.memory_space<vmem>>, vector<16xi32>,
    %swap3A_580 = vector.shape_cast %swap3A_579 : vector<16xi32> to vector<16xi32>
    %swap3A_581 = vector.shape_cast %add3A_577 : vector<16xi32> to vector<16xi32>
    tpu.vector_store %arg11[%swap3A_578], %swap3A_581 {strides = array<i32>} : memref<128xi32, #tpu.memory_space<vmem>>, vector<16xi32>,
    %get3A_582 = arith.constant 464 : index
    %get3A_583 = tpu.vector_load %arg7[%get3A_582] {strides = array<i32>} : memref<20000xi32, #tpu.memory_space<vmem>>, vector<16xi32>,
    %get3A_584 = vector.shape_cast %get3A_583 : vector<16xi32> to vector<16xi32>
    %swap3A_585 = arith.constant 80 : index
    %swap3A_586 = tpu.vector_load %arg15[%swap3A_585] {strides = array<i32>} : memref<128xi32, #tpu.memory_space<vmem>>, vector<16xi32>,
    %swap3A_587 = vector.shape_cast %swap3A_586 : vector<16xi32> to vector<16xi32>
    %swap3A_588 = vector.shape_cast %get3A_584 : vector<16xi32> to vector<16xi32>
    tpu.vector_store %arg15[%swap3A_585], %swap3A_588 {strides = array<i32>} : memref<128xi32, #tpu.memory_space<vmem>>, vector<16xi32>,
    %get3A_589 = arith.constant 480 : index
    %get3A_590 = tpu.vector_load %arg6[%get3A_589] {strides = array<i32>} : memref<20000xi32, #tpu.memory_space<vmem>>, vector<16xi32>,
    %get3A_591 = vector.shape_cast %get3A_590 : vector<16xi32> to vector<16xi32>
    %mul3A_592 = arith.constant 2 : i32
    %mul3A_593 = vector.broadcast %mul3A_592 : i32 to vector<16xi32>
    %mul3A_594 = arith.muli %get3A_591, %mul3A_593 : vector<16xi32>
    %add3A_595 = vector.broadcast %arg0 : i32 to vector<16xi32>
    %add3A_596 = arith.addi %mul3A_594, %add3A_595 : vector<16xi32>
    %swap3A_597 = arith.constant 96 : index
    %swap3A_598 = tpu.vector_load %arg11[%swap3A_597] {strides = array<i32>} : memref<128xi32, #tpu.memory_space<vmem>>, vector<16xi32>,
    %swap3A_599 = vector.shape_cast %swap3A_598 : vector<16xi32> to vector<16xi32>
    %swap3A_600 = vector.shape_cast %add3A_596 : vector<16xi32> to vector<16xi32>
    tpu.vector_store %arg11[%swap3A_597], %swap3A_600 {strides = array<i32>} : memref<128xi32, #tpu.memory_space<vmem>>, vector<16xi32>,
    %get3A_601 = arith.constant 480 : index
    %get3A_602 = tpu.vector_load %arg7[%get3A_601] {strides = array<i32>} : memref<20000xi32, #tpu.memory_space<vmem>>, vector<16xi32>,
    %get3A_603 = vector.shape_cast %get3A_602 : vector<16xi32> to vector<16xi32>
    %swap3A_604 = arith.constant 96 : index
    %swap3A_605 = tpu.vector_load %arg15[%swap3A_604] {strides = array<i32>} : memref<128xi32, #tpu.memory_space<vmem>>, vector<16xi32>,
    %swap3A_606 = vector.shape_cast %swap3A_605 : vector<16xi32> to vector<16xi32>
    %swap3A_607 = vector.shape_cast %get3A_603 : vector<16xi32> to vector<16xi32>
    tpu.vector_store %arg15[%swap3A_604], %swap3A_607 {strides = array<i32>} : memref<128xi32, #tpu.memory_space<vmem>>, vector<16xi32>,
    %get3A_608 = arith.constant 496 : index
    %get3A_609 = tpu.vector_load %arg6[%get3A_608] {strides = array<i32>} : memref<20000xi32, #tpu.memory_space<vmem>>, vector<16xi32>,
    %get3A_610 = vector.shape_cast %get3A_609 : vector<16xi32> to vector<16xi32>
    %mul3A_611 = arith.constant 2 : i32
    %mul3A_612 = vector.broadcast %mul3A_611 : i32 to vector<16xi32>
    %mul3A_613 = arith.muli %get3A_610, %mul3A_612 : vector<16xi32>
    %add3A_614 = vector.broadcast %arg0 : i32 to vector<16xi32>
    %add3A_615 = arith.addi %mul3A_613, %add3A_614 : vector<16xi32>
    %swap3A_616 = arith.constant 112 : index
    %swap3A_617 = tpu.vector_load %arg11[%swap3A_616] {strides = array<i32>} : memref<128xi32, #tpu.memory_space<vmem>>, vector<16xi32>,
    %swap3A_618 = vector.shape_cast %swap3A_617 : vector<16xi32> to vector<16xi32>
    %swap3A_619 = vector.shape_cast %add3A_615 : vector<16xi32> to vector<16xi32>
    tpu.vector_store %arg11[%swap3A_616], %swap3A_619 {strides = array<i32>} : memref<128xi32, #tpu.memory_space<vmem>>, vector<16xi32>,
    %get3A_620 = arith.constant 496 : index
    %get3A_621 = tpu.vector_load %arg7[%get3A_620] {strides = array<i32>} : memref<20000xi32, #tpu.memory_space<vmem>>, vector<16xi32>,
    %get3A_622 = vector.shape_cast %get3A_621 : vector<16xi32> to vector<16xi32>
    %swap3A_623 = arith.constant 112 : index
    %swap3A_624 = tpu.vector_load %arg15[%swap3A_623] {strides = array<i32>} : memref<128xi32, #tpu.memory_space<vmem>>, vector<16xi32>,
    %swap3A_625 = vector.shape_cast %swap3A_624 : vector<16xi32> to vector<16xi32>
    %swap3A_626 = vector.shape_cast %get3A_622 : vector<16xi32> to vector<16xi32>
    tpu.vector_store %arg15[%swap3A_623], %swap3A_626 {strides = array<i32>} : memref<128xi32, #tpu.memory_space<vmem>>, vector<16xi32>,
    %dma_start3A_627 = arith.constant 0 : i32
    %dma_start3A_628 = arith.constant 0 : i32
    %dma_start3A_629 = tpu.memref_slice %arg2[%dma_start3A_627, %dma_start3A_628] : memref<20000x64xf32, #tpu.memory_space<hbm>> -> memref<20000x64xf32, #tpu.memory_space<hbm>>
    tpu.enqueue_indirect_dma source(%dma_start3A_629 : memref<20000x64xf32, #tpu.memory_space<hbm>>) target(%arg19 : memref<128x64xf32, #tpu.memory_space<vmem>>) offsets(%arg11 : memref<128xi32, #tpu.memory_space<vmem>>) semaphore(%arg28 : memref<!tpu.dma_semaphore, #tpu.memory_space<semaphore_mem>>)
    %scan3A_630 = arith.constant 0 : i32
    %scan3A_631 = arith.constant 0 : i32
    %scan3A_632 = arith.constant 39 : i32
    %scan3A_633 = arith.addi %scan3A_631, %scan3A_632 : i32
    %scan3A_634 = arith.constant 1 : i32
    scf.for %scan3A_686 = %scan3A_631 to %scan3A_633 step %scan3A_634  : i32 {
      %dma_wait3A_687 = arith.constant 0 : i32
      %dma_wait3A_688 = arith.constant 0 : i32
      %dma_wait3A_689 = tpu.memref_slice %arg2[%dma_wait3A_687, %dma_wait3A_688] : memref<20000x64xf32, #tpu.memory_space<hbm>> -> memref<20000x64xf32, #tpu.memory_space<hbm>>
      tpu.wait_indirect_dma semaphore(%arg25 : memref<!tpu.dma_semaphore, #tpu.memory_space<semaphore_mem>>) src(%dma_wait3A_689 : memref<20000x64xf32, #tpu.memory_space<hbm>>) dst(%arg16 : memref<128x64xf32, #tpu.memory_space<vmem>>)
      %dma_start3A_690 = arith.constant 0 : i32
      %dma_start3A_691 = arith.constant 0 : i32
      %dma_start3A_692 = tpu.memref_slice %arg24[%dma_start3A_690, %dma_start3A_691] : memref<10000x64xf32, #tpu.memory_space<vmem_shared>> -> memref<10000x64xf32, #tpu.memory_space<vmem_shared>>
      tpu.enqueue_indirect_dma source(%arg16 : memref<128x64xf32, #tpu.memory_space<vmem>>) target(%dma_start3A_692 : memref<10000x64xf32, #tpu.memory_space<vmem_shared>>) offsets(%arg12 : memref<128xi32, #tpu.memory_space<vmem>>) semaphore(%arg29 : memref<!tpu.dma_semaphore, #tpu.memory_space<semaphore_mem>>) {add = true}
      %dma_wait3A_693 = arith.constant 0 : i32
      %dma_wait3A_694 = arith.constant 0 : i32
      %dma_wait3A_695 = tpu.memref_slice %arg2[%dma_wait3A_693, %dma_wait3A_694] : memref<20000x64xf32, #tpu.memory_space<hbm>> -> memref<20000x64xf32, #tpu.memory_space<hbm>>
      tpu.wait_indirect_dma semaphore(%arg26 : memref<!tpu.dma_semaphore, #tpu.memory_space<semaphore_mem>>) src(%dma_wait3A_695 : memref<20000x64xf32, #tpu.memory_space<hbm>>) dst(%arg17 : memref<128x64xf32, #tpu.memory_space<vmem>>)
      %dma_start3A_696 = arith.constant 0 : i32
      %dma_start3A_697 = arith.constant 0 : i32
      %dma_start3A_698 = tpu.memref_slice %arg24[%dma_start3A_696, %dma_start3A_697] : memref<10000x64xf32, #tpu.memory_space<vmem_shared>> -> memref<10000x64xf32, #tpu.memory_space<vmem_shared>>
      tpu.enqueue_indirect_dma source(%arg17 : memref<128x64xf32, #tpu.memory_space<vmem>>) target(%dma_start3A_698 : memref<10000x64xf32, #tpu.memory_space<vmem_shared>>) offsets(%arg13 : memref<128xi32, #tpu.memory_space<vmem>>) semaphore(%arg30 : memref<!tpu.dma_semaphore, #tpu.memory_space<semaphore_mem>>) {add = true}
      %dma_wait3A_699 = arith.constant 0 : i32
      %dma_wait3A_700 = arith.constant 0 : i32
      %dma_wait3A_701 = tpu.memref_slice %arg2[%dma_wait3A_699, %dma_wait3A_700] : memref<20000x64xf32, #tpu.memory_space<hbm>> -> memref<20000x64xf32, #tpu.memory_space<hbm>>
      tpu.wait_indirect_dma semaphore(%arg27 : memref<!tpu.dma_semaphore, #tpu.memory_space<semaphore_mem>>) src(%dma_wait3A_701 : memref<20000x64xf32, #tpu.memory_space<hbm>>) dst(%arg18 : memref<128x64xf32, #tpu.memory_space<vmem>>)
      %dma_start3A_702 = arith.constant 0 : i32
      %dma_start3A_703 = arith.constant 0 : i32
      %dma_start3A_704 = tpu.memref_slice %arg24[%dma_start3A_702, %dma_start3A_703] : memref<10000x64xf32, #tpu.memory_space<vmem_shared>> -> memref<10000x64xf32, #tpu.memory_space<vmem_shared>>
      tpu.enqueue_indirect_dma source(%arg18 : memref<128x64xf32, #tpu.memory_space<vmem>>) target(%dma_start3A_704 : memref<10000x64xf32, #tpu.memory_space<vmem_shared>>) offsets(%arg14 : memref<128xi32, #tpu.memory_space<vmem>>) semaphore(%arg31 : memref<!tpu.dma_semaphore, #tpu.memory_space<semaphore_mem>>) {add = true}
      %dma_wait3A_705 = arith.constant 0 : i32
      %dma_wait3A_706 = arith.constant 0 : i32
      %dma_wait3A_707 = tpu.memref_slice %arg2[%dma_wait3A_705, %dma_wait3A_706] : memref<20000x64xf32, #tpu.memory_space<hbm>> -> memref<20000x64xf32, #tpu.memory_space<hbm>>
      tpu.wait_indirect_dma semaphore(%arg28 : memref<!tpu.dma_semaphore, #tpu.memory_space<semaphore_mem>>) src(%dma_wait3A_707 : memref<20000x64xf32, #tpu.memory_space<hbm>>) dst(%arg19 : memref<128x64xf32, #tpu.memory_space<vmem>>)
      %dma_start3A_708 = arith.constant 0 : i32
      %dma_start3A_709 = arith.constant 0 : i32
      %dma_start3A_710 = tpu.memref_slice %arg24[%dma_start3A_708, %dma_start3A_709] : memref<10000x64xf32, #tpu.memory_space<vmem_shared>> -> memref<10000x64xf32, #tpu.memory_space<vmem_shared>>
      tpu.enqueue_indirect_dma source(%arg19 : memref<128x64xf32, #tpu.memory_space<vmem>>) target(%dma_start3A_710 : memref<10000x64xf32, #tpu.memory_space<vmem_shared>>) offsets(%arg15 : memref<128xi32, #tpu.memory_space<vmem>>) semaphore(%arg32 : memref<!tpu.dma_semaphore, #tpu.memory_space<semaphore_mem>>) {add = true}
      %mul3A_711 = arith.constant 4 : i32
      %mul3A_712 = arith.muli %scan3A_686, %mul3A_711 : i32
      %add3A_713 = arith.constant 0 : i32
      %add3A_714 = arith.addi %mul3A_712, %add3A_713 : i32
      %dma_wait3A_715 = arith.constant 0 : i32
      %dma_wait3A_716 = arith.constant 0 : i32
      %dma_wait3A_717 = tpu.memref_slice %arg24[%dma_wait3A_715, %dma_wait3A_716] : memref<10000x64xf32, #tpu.memory_space<vmem_shared>> -> memref<10000x64xf32, #tpu.memory_space<vmem_shared>>
      tpu.wait_indirect_dma semaphore(%arg29 : memref<!tpu.dma_semaphore, #tpu.memory_space<semaphore_mem>>) src(%arg16 : memref<128x64xf32, #tpu.memory_space<vmem>>) dst(%dma_wait3A_717 : memref<10000x64xf32, #tpu.memory_space<vmem_shared>>)
      %add3A_718 = arith.constant 4 : i32
      %add3A_719 = arith.addi %add3A_714, %add3A_718 : i32
      %lt3A = arith.constant 156 : i32
      %lt3A_720 = arith.cmpi slt, %add3A_719, %lt3A : i32
      %convert_element_type3A = arith.extui %lt3A_720 : i1 to i32
      %cond3A = arith.constant 0 : i32
      %cond3A_721 = arith.cmpi ne, %convert_element_type3A, %cond3A : i32
      scf.if %cond3A_721 {
        %mul3A_764 = arith.constant 128 : i32
        %mul3A_765 = arith.muli %add3A_719, %mul3A_764 : i32
        %add3A_766 = arith.constant 0 : i32
        %add3A_767 = arith.addi %mul3A_765, %add3A_766 : i32
        %get3A_768 = arith.index_cast %add3A_767 : i32 to index
        %get3A_769 = tpu.vector_load %arg6[%get3A_768] {strides = array<i32>} : memref<20000xi32, #tpu.memory_space<vmem>>, vector<16xi32>,
        %get3A_770 = vector.shape_cast %get3A_769 : vector<16xi32> to vector<16xi32>
        %mul3A_771 = arith.constant 2 : i32
        %mul3A_772 = vector.broadcast %mul3A_771 : i32 to vector<16xi32>
        %mul3A_773 = arith.muli %get3A_770, %mul3A_772 : vector<16xi32>
        %add3A_774 = vector.broadcast %arg0 : i32 to vector<16xi32>
        %add3A_775 = arith.addi %mul3A_773, %add3A_774 : vector<16xi32>
        %swap3A_776 = arith.constant 0 : index
        %swap3A_777 = tpu.vector_load %arg8[%swap3A_776] {strides = array<i32>} : memref<128xi32, #tpu.memory_space<vmem>>, vector<16xi32>,
        %swap3A_778 = vector.shape_cast %swap3A_777 : vector<16xi32> to vector<16xi32>
        %swap3A_779 = vector.shape_cast %add3A_775 : vector<16xi32> to vector<16xi32>
        tpu.vector_store %arg8[%swap3A_776], %swap3A_779 {strides = array<i32>} : memref<128xi32, #tpu.memory_space<vmem>>, vector<16xi32>,
        %get3A_780 = arith.index_cast %add3A_767 : i32 to index
        %get3A_781 = tpu.vector_load %arg7[%get3A_780] {strides = array<i32>} : memref<20000xi32, #tpu.memory_space<vmem>>, vector<16xi32>,
        %get3A_782 = vector.shape_cast %get3A_781 : vector<16xi32> to vector<16xi32>
        %swap3A_783 = arith.constant 0 : index
        %swap3A_784 = tpu.vector_load %arg12[%swap3A_783] {strides = array<i32>} : memref<128xi32, #tpu.memory_space<vmem>>, vector<16xi32>,
        %swap3A_785 = vector.shape_cast %swap3A_784 : vector<16xi32> to vector<16xi32>
        %swap3A_786 = vector.shape_cast %get3A_782 : vector<16xi32> to vector<16xi32>
        tpu.vector_store %arg12[%swap3A_783], %swap3A_786 {strides = array<i32>} : memref<128xi32, #tpu.memory_space<vmem>>, vector<16xi32>,
        %mul3A_787 = arith.constant 128 : i32
        %mul3A_788 = arith.muli %add3A_719, %mul3A_787 : i32
        %add3A_789 = arith.constant 16 : i32
        %add3A_790 = arith.addi %mul3A_788, %add3A_789 : i32
        %get3A_791 = arith.index_cast %add3A_790 : i32 to index
        %get3A_792 = tpu.vector_load %arg6[%get3A_791] {strides = array<i32>} : memref<20000xi32, #tpu.memory_space<vmem>>, vector<16xi32>,
        %get3A_793 = vector.shape_cast %get3A_792 : vector<16xi32> to vector<16xi32>
        %mul3A_794 = arith.constant 2 : i32
        %mul3A_795 = vector.broadcast %mul3A_794 : i32 to vector<16xi32>
        %mul3A_796 = arith.muli %get3A_793, %mul3A_795 : vector<16xi32>
        %add3A_797 = vector.broadcast %arg0 : i32 to vector<16xi32>
        %add3A_798 = arith.addi %mul3A_796, %add3A_797 : vector<16xi32>
        %swap3A_799 = arith.constant 16 : index
        %swap3A_800 = tpu.vector_load %arg8[%swap3A_799] {strides = array<i32>} : memref<128xi32, #tpu.memory_space<vmem>>, vector<16xi32>,
        %swap3A_801 = vector.shape_cast %swap3A_800 : vector<16xi32> to vector<16xi32>
        %swap3A_802 = vector.shape_cast %add3A_798 : vector<16xi32> to vector<16xi32>
        tpu.vector_store %arg8[%swap3A_799], %swap3A_802 {strides = array<i32>} : memref<128xi32, #tpu.memory_space<vmem>>, vector<16xi32>,
        %get3A_803 = arith.index_cast %add3A_790 : i32 to index
        %get3A_804 = tpu.vector_load %arg7[%get3A_803] {strides = array<i32>} : memref<20000xi32, #tpu.memory_space<vmem>>, vector<16xi32>,
        %get3A_805 = vector.shape_cast %get3A_804 : vector<16xi32> to vector<16xi32>
        %swap3A_806 = arith.constant 16 : index
        %swap3A_807 = tpu.vector_load %arg12[%swap3A_806] {strides = array<i32>} : memref<128xi32, #tpu.memory_space<vmem>>, vector<16xi32>,
        %swap3A_808 = vector.shape_cast %swap3A_807 : vector<16xi32> to vector<16xi32>
        %swap3A_809 = vector.shape_cast %get3A_805 : vector<16xi32> to vector<16xi32>
        tpu.vector_store %arg12[%swap3A_806], %swap3A_809 {strides = array<i32>} : memref<128xi32, #tpu.memory_space<vmem>>, vector<16xi32>,
        %mul3A_810 = arith.constant 128 : i32
        %mul3A_811 = arith.muli %add3A_719, %mul3A_810 : i32
        %add3A_812 = arith.constant 32 : i32
        %add3A_813 = arith.addi %mul3A_811, %add3A_812 : i32
        %get3A_814 = arith.index_cast %add3A_813 : i32 to index
        %get3A_815 = tpu.vector_load %arg6[%get3A_814] {strides = array<i32>} : memref<20000xi32, #tpu.memory_space<vmem>>, vector<16xi32>,
        %get3A_816 = vector.shape_cast %get3A_815 : vector<16xi32> to vector<16xi32>
        %mul3A_817 = arith.constant 2 : i32
        %mul3A_818 = vector.broadcast %mul3A_817 : i32 to vector<16xi32>
        %mul3A_819 = arith.muli %get3A_816, %mul3A_818 : vector<16xi32>
        %add3A_820 = vector.broadcast %arg0 : i32 to vector<16xi32>
        %add3A_821 = arith.addi %mul3A_819, %add3A_820 : vector<16xi32>
        %swap3A_822 = arith.constant 32 : index
        %swap3A_823 = tpu.vector_load %arg8[%swap3A_822] {strides = array<i32>} : memref<128xi32, #tpu.memory_space<vmem>>, vector<16xi32>,
        %swap3A_824 = vector.shape_cast %swap3A_823 : vector<16xi32> to vector<16xi32>
        %swap3A_825 = vector.shape_cast %add3A_821 : vector<16xi32> to vector<16xi32>
        tpu.vector_store %arg8[%swap3A_822], %swap3A_825 {strides = array<i32>} : memref<128xi32, #tpu.memory_space<vmem>>, vector<16xi32>,
        %get3A_826 = arith.index_cast %add3A_813 : i32 to index
        %get3A_827 = tpu.vector_load %arg7[%get3A_826] {strides = array<i32>} : memref<20000xi32, #tpu.memory_space<vmem>>, vector<16xi32>,
        %get3A_828 = vector.shape_cast %get3A_827 : vector<16xi32> to vector<16xi32>
        %swap3A_829 = arith.constant 32 : index
        %swap3A_830 = tpu.vector_load %arg12[%swap3A_829] {strides = array<i32>} : memref<128xi32, #tpu.memory_space<vmem>>, vector<16xi32>,
        %swap3A_831 = vector.shape_cast %swap3A_830 : vector<16xi32> to vector<16xi32>
        %swap3A_832 = vector.shape_cast %get3A_828 : vector<16xi32> to vector<16xi32>
        tpu.vector_store %arg12[%swap3A_829], %swap3A_832 {strides = array<i32>} : memref<128xi32, #tpu.memory_space<vmem>>, vector<16xi32>,
        %mul3A_833 = arith.constant 128 : i32
        %mul3A_834 = arith.muli %add3A_719, %mul3A_833 : i32
        %add3A_835 = arith.constant 48 : i32
        %add3A_836 = arith.addi %mul3A_834, %add3A_835 : i32
        %get3A_837 = arith.index_cast %add3A_836 : i32 to index
        %get3A_838 = tpu.vector_load %arg6[%get3A_837] {strides = array<i32>} : memref<20000xi32, #tpu.memory_space<vmem>>, vector<16xi32>,
        %get3A_839 = vector.shape_cast %get3A_838 : vector<16xi32> to vector<16xi32>
        %mul3A_840 = arith.constant 2 : i32
        %mul3A_841 = vector.broadcast %mul3A_840 : i32 to vector<16xi32>
        %mul3A_842 = arith.muli %get3A_839, %mul3A_841 : vector<16xi32>
        %add3A_843 = vector.broadcast %arg0 : i32 to vector<16xi32>
        %add3A_844 = arith.addi %mul3A_842, %add3A_843 : vector<16xi32>
        %swap3A_845 = arith.constant 48 : index
        %swap3A_846 = tpu.vector_load %arg8[%swap3A_845] {strides = array<i32>} : memref<128xi32, #tpu.memory_space<vmem>>, vector<16xi32>,
        %swap3A_847 = vector.shape_cast %swap3A_846 : vector<16xi32> to vector<16xi32>
        %swap3A_848 = vector.shape_cast %add3A_844 : vector<16xi32> to vector<16xi32>
        tpu.vector_store %arg8[%swap3A_845], %swap3A_848 {strides = array<i32>} : memref<128xi32, #tpu.memory_space<vmem>>, vector<16xi32>,
        %get3A_849 = arith.index_cast %add3A_836 : i32 to index
        %get3A_850 = tpu.vector_load %arg7[%get3A_849] {strides = array<i32>} : memref<20000xi32, #tpu.memory_space<vmem>>, vector<16xi32>,
        %get3A_851 = vector.shape_cast %get3A_850 : vector<16xi32> to vector<16xi32>
        %swap3A_852 = arith.constant 48 : index
        %swap3A_853 = tpu.vector_load %arg12[%swap3A_852] {strides = array<i32>} : memref<128xi32, #tpu.memory_space<vmem>>, vector<16xi32>,
        %swap3A_854 = vector.shape_cast %swap3A_853 : vector<16xi32> to vector<16xi32>
        %swap3A_855 = vector.shape_cast %get3A_851 : vector<16xi32> to vector<16xi32>
        tpu.vector_store %arg12[%swap3A_852], %swap3A_855 {strides = array<i32>} : memref<128xi32, #tpu.memory_space<vmem>>, vector<16xi32>,
        %mul3A_856 = arith.constant 128 : i32
        %mul3A_857 = arith.muli %add3A_719, %mul3A_856 : i32
        %add3A_858 = arith.constant 64 : i32
        %add3A_859 = arith.addi %mul3A_857, %add3A_858 : i32
        %get3A_860 = arith.index_cast %add3A_859 : i32 to index
        %get3A_861 = tpu.vector_load %arg6[%get3A_860] {strides = array<i32>} : memref<20000xi32, #tpu.memory_space<vmem>>, vector<16xi32>,
        %get3A_862 = vector.shape_cast %get3A_861 : vector<16xi32> to vector<16xi32>
        %mul3A_863 = arith.constant 2 : i32
        %mul3A_864 = vector.broadcast %mul3A_863 : i32 to vector<16xi32>
        %mul3A_865 = arith.muli %get3A_862, %mul3A_864 : vector<16xi32>
        %add3A_866 = vector.broadcast %arg0 : i32 to vector<16xi32>
        %add3A_867 = arith.addi %mul3A_865, %add3A_866 : vector<16xi32>
        %swap3A_868 = arith.constant 64 : index
        %swap3A_869 = tpu.vector_load %arg8[%swap3A_868] {strides = array<i32>} : memref<128xi32, #tpu.memory_space<vmem>>, vector<16xi32>,
        %swap3A_870 = vector.shape_cast %swap3A_869 : vector<16xi32> to vector<16xi32>
        %swap3A_871 = vector.shape_cast %add3A_867 : vector<16xi32> to vector<16xi32>
        tpu.vector_store %arg8[%swap3A_868], %swap3A_871 {strides = array<i32>} : memref<128xi32, #tpu.memory_space<vmem>>, vector<16xi32>,
        %get3A_872 = arith.index_cast %add3A_859 : i32 to index
        %get3A_873 = tpu.vector_load %arg7[%get3A_872] {strides = array<i32>} : memref<20000xi32, #tpu.memory_space<vmem>>, vector<16xi32>,
        %get3A_874 = vector.shape_cast %get3A_873 : vector<16xi32> to vector<16xi32>
        %swap3A_875 = arith.constant 64 : index
        %swap3A_876 = tpu.vector_load %arg12[%swap3A_875] {strides = array<i32>} : memref<128xi32, #tpu.memory_space<vmem>>, vector<16xi32>,
        %swap3A_877 = vector.shape_cast %swap3A_876 : vector<16xi32> to vector<16xi32>
        %swap3A_878 = vector.shape_cast %get3A_874 : vector<16xi32> to vector<16xi32>
        tpu.vector_store %arg12[%swap3A_875], %swap3A_878 {strides = array<i32>} : memref<128xi32, #tpu.memory_space<vmem>>, vector<16xi32>,
        %mul3A_879 = arith.constant 128 : i32
        %mul3A_880 = arith.muli %add3A_719, %mul3A_879 : i32
        %add3A_881 = arith.constant 80 : i32
        %add3A_882 = arith.addi %mul3A_880, %add3A_881 : i32
        %get3A_883 = arith.index_cast %add3A_882 : i32 to index
        %get3A_884 = tpu.vector_load %arg6[%get3A_883] {strides = array<i32>} : memref<20000xi32, #tpu.memory_space<vmem>>, vector<16xi32>,
        %get3A_885 = vector.shape_cast %get3A_884 : vector<16xi32> to vector<16xi32>
        %mul3A_886 = arith.constant 2 : i32
        %mul3A_887 = vector.broadcast %mul3A_886 : i32 to vector<16xi32>
        %mul3A_888 = arith.muli %get3A_885, %mul3A_887 : vector<16xi32>
        %add3A_889 = vector.broadcast %arg0 : i32 to vector<16xi32>
        %add3A_890 = arith.addi %mul3A_888, %add3A_889 : vector<16xi32>
        %swap3A_891 = arith.constant 80 : index
        %swap3A_892 = tpu.vector_load %arg8[%swap3A_891] {strides = array<i32>} : memref<128xi32, #tpu.memory_space<vmem>>, vector<16xi32>,
        %swap3A_893 = vector.shape_cast %swap3A_892 : vector<16xi32> to vector<16xi32>
        %swap3A_894 = vector.shape_cast %add3A_890 : vector<16xi32> to vector<16xi32>
        tpu.vector_store %arg8[%swap3A_891], %swap3A_894 {strides = array<i32>} : memref<128xi32, #tpu.memory_space<vmem>>, vector<16xi32>,
        %get3A_895 = arith.index_cast %add3A_882 : i32 to index
        %get3A_896 = tpu.vector_load %arg7[%get3A_895] {strides = array<i32>} : memref<20000xi32, #tpu.memory_space<vmem>>, vector<16xi32>,
        %get3A_897 = vector.shape_cast %get3A_896 : vector<16xi32> to vector<16xi32>
        %swap3A_898 = arith.constant 80 : index
        %swap3A_899 = tpu.vector_load %arg12[%swap3A_898] {strides = array<i32>} : memref<128xi32, #tpu.memory_space<vmem>>, vector<16xi32>,
        %swap3A_900 = vector.shape_cast %swap3A_899 : vector<16xi32> to vector<16xi32>
        %swap3A_901 = vector.shape_cast %get3A_897 : vector<16xi32> to vector<16xi32>
        tpu.vector_store %arg12[%swap3A_898], %swap3A_901 {strides = array<i32>} : memref<128xi32, #tpu.memory_space<vmem>>, vector<16xi32>,
        %mul3A_902 = arith.constant 128 : i32
        %mul3A_903 = arith.muli %add3A_719, %mul3A_902 : i32
        %add3A_904 = arith.constant 96 : i32
        %add3A_905 = arith.addi %mul3A_903, %add3A_904 : i32
        %get3A_906 = arith.index_cast %add3A_905 : i32 to index
        %get3A_907 = tpu.vector_load %arg6[%get3A_906] {strides = array<i32>} : memref<20000xi32, #tpu.memory_space<vmem>>, vector<16xi32>,
        %get3A_908 = vector.shape_cast %get3A_907 : vector<16xi32> to vector<16xi32>
        %mul3A_909 = arith.constant 2 : i32
        %mul3A_910 = vector.broadcast %mul3A_909 : i32 to vector<16xi32>
        %mul3A_911 = arith.muli %get3A_908, %mul3A_910 : vector<16xi32>
        %add3A_912 = vector.broadcast %arg0 : i32 to vector<16xi32>
        %add3A_913 = arith.addi %mul3A_911, %add3A_912 : vector<16xi32>
        %swap3A_914 = arith.constant 96 : index
        %swap3A_915 = tpu.vector_load %arg8[%swap3A_914] {strides = array<i32>} : memref<128xi32, #tpu.memory_space<vmem>>, vector<16xi32>,
        %swap3A_916 = vector.shape_cast %swap3A_915 : vector<16xi32> to vector<16xi32>
        %swap3A_917 = vector.shape_cast %add3A_913 : vector<16xi32> to vector<16xi32>
        tpu.vector_store %arg8[%swap3A_914], %swap3A_917 {strides = array<i32>} : memref<128xi32, #tpu.memory_space<vmem>>, vector<16xi32>,
        %get3A_918 = arith.index_cast %add3A_905 : i32 to index
        %get3A_919 = tpu.vector_load %arg7[%get3A_918] {strides = array<i32>} : memref<20000xi32, #tpu.memory_space<vmem>>, vector<16xi32>,
        %get3A_920 = vector.shape_cast %get3A_919 : vector<16xi32> to vector<16xi32>
        %swap3A_921 = arith.constant 96 : index
        %swap3A_922 = tpu.vector_load %arg12[%swap3A_921] {strides = array<i32>} : memref<128xi32, #tpu.memory_space<vmem>>, vector<16xi32>,
        %swap3A_923 = vector.shape_cast %swap3A_922 : vector<16xi32> to vector<16xi32>
        %swap3A_924 = vector.shape_cast %get3A_920 : vector<16xi32> to vector<16xi32>
        tpu.vector_store %arg12[%swap3A_921], %swap3A_924 {strides = array<i32>} : memref<128xi32, #tpu.memory_space<vmem>>, vector<16xi32>,
        %mul3A_925 = arith.constant 128 : i32
        %mul3A_926 = arith.muli %add3A_719, %mul3A_925 : i32
        %add3A_927 = arith.constant 112 : i32
        %add3A_928 = arith.addi %mul3A_926, %add3A_927 : i32
        %get3A_929 = arith.index_cast %add3A_928 : i32 to index
        %get3A_930 = tpu.vector_load %arg6[%get3A_929] {strides = array<i32>} : memref<20000xi32, #tpu.memory_space<vmem>>, vector<16xi32>,
        %get3A_931 = vector.shape_cast %get3A_930 : vector<16xi32> to vector<16xi32>
        %mul3A_932 = arith.constant 2 : i32
        %mul3A_933 = vector.broadcast %mul3A_932 : i32 to vector<16xi32>
        %mul3A_934 = arith.muli %get3A_931, %mul3A_933 : vector<16xi32>
        %add3A_935 = vector.broadcast %arg0 : i32 to vector<16xi32>
        %add3A_936 = arith.addi %mul3A_934, %add3A_935 : vector<16xi32>
        %swap3A_937 = arith.constant 112 : index
        %swap3A_938 = tpu.vector_load %arg8[%swap3A_937] {strides = array<i32>} : memref<128xi32, #tpu.memory_space<vmem>>, vector<16xi32>,
        %swap3A_939 = vector.shape_cast %swap3A_938 : vector<16xi32> to vector<16xi32>
        %swap3A_940 = vector.shape_cast %add3A_936 : vector<16xi32> to vector<16xi32>
        tpu.vector_store %arg8[%swap3A_937], %swap3A_940 {strides = array<i32>} : memref<128xi32, #tpu.memory_space<vmem>>, vector<16xi32>,
        %get3A_941 = arith.index_cast %add3A_928 : i32 to index
        %get3A_942 = tpu.vector_load %arg7[%get3A_941] {strides = array<i32>} : memref<20000xi32, #tpu.memory_space<vmem>>, vector<16xi32>,
        %get3A_943 = vector.shape_cast %get3A_942 : vector<16xi32> to vector<16xi32>
        %swap3A_944 = arith.constant 112 : index
        %swap3A_945 = tpu.vector_load %arg12[%swap3A_944] {strides = array<i32>} : memref<128xi32, #tpu.memory_space<vmem>>, vector<16xi32>,
        %swap3A_946 = vector.shape_cast %swap3A_945 : vector<16xi32> to vector<16xi32>
        %swap3A_947 = vector.shape_cast %get3A_943 : vector<16xi32> to vector<16xi32>
        tpu.vector_store %arg12[%swap3A_944], %swap3A_947 {strides = array<i32>} : memref<128xi32, #tpu.memory_space<vmem>>, vector<16xi32>,
        %dma_start3A_948 = arith.constant 0 : i32
        %dma_start3A_949 = arith.constant 0 : i32
        %dma_start3A_950 = tpu.memref_slice %arg2[%dma_start3A_948, %dma_start3A_949] : memref<20000x64xf32, #tpu.memory_space<hbm>> -> memref<20000x64xf32, #tpu.memory_space<hbm>>
        tpu.enqueue_indirect_dma source(%dma_start3A_950 : memref<20000x64xf32, #tpu.memory_space<hbm>>) target(%arg16 : memref<128x64xf32, #tpu.memory_space<vmem>>) offsets(%arg8 : memref<128xi32, #tpu.memory_space<vmem>>) semaphore(%arg25 : memref<!tpu.dma_semaphore, #tpu.memory_space<semaphore_mem>>)
      } else {
      }
      %mul3A_722 = arith.constant 4 : i32
      %mul3A_723 = arith.muli %scan3A_686, %mul3A_722 : i32
      %add3A_724 = arith.constant 1 : i32
      %add3A_725 = arith.addi %mul3A_723, %add3A_724 : i32
      %dma_wait3A_726 = arith.constant 0 : i32
      %dma_wait3A_727 = arith.constant 0 : i32
      %dma_wait3A_728 = tpu.memref_slice %arg24[%dma_wait3A_726, %dma_wait3A_727] : memref<10000x64xf32, #tpu.memory_space<vmem_shared>> -> memref<10000x64xf32, #tpu.memory_space<vmem_shared>>
      tpu.wait_indirect_dma semaphore(%arg30 : memref<!tpu.dma_semaphore, #tpu.memory_space<semaphore_mem>>) src(%arg17 : memref<128x64xf32, #tpu.memory_space<vmem>>) dst(%dma_wait3A_728 : memref<10000x64xf32, #tpu.memory_space<vmem_shared>>)
      %add3A_729 = arith.constant 4 : i32
      %add3A_730 = arith.addi %add3A_725, %add3A_729 : i32
      %lt3A_731 = arith.constant 156 : i32
      %lt3A_732 = arith.cmpi slt, %add3A_730, %lt3A_731 : i32
      %convert_element_type3A_733 = arith.extui %lt3A_732 : i1 to i32
      %cond3A_734 = arith.constant 0 : i32
      %cond3A_735 = arith.cmpi ne, %convert_element_type3A_733, %cond3A_734 : i32
      scf.if %cond3A_735 {
        %mul3A_764 = arith.constant 128 : i32
        %mul3A_765 = arith.muli %add3A_730, %mul3A_764 : i32
        %add3A_766 = arith.constant 0 : i32
        %add3A_767 = arith.addi %mul3A_765, %add3A_766 : i32
        %get3A_768 = arith.index_cast %add3A_767 : i32 to index
        %get3A_769 = tpu.vector_load %arg6[%get3A_768] {strides = array<i32>} : memref<20000xi32, #tpu.memory_space<vmem>>, vector<16xi32>,
        %get3A_770 = vector.shape_cast %get3A_769 : vector<16xi32> to vector<16xi32>
        %mul3A_771 = arith.constant 2 : i32
        %mul3A_772 = vector.broadcast %mul3A_771 : i32 to vector<16xi32>
        %mul3A_773 = arith.muli %get3A_770, %mul3A_772 : vector<16xi32>
        %add3A_774 = vector.broadcast %arg0 : i32 to vector<16xi32>
        %add3A_775 = arith.addi %mul3A_773, %add3A_774 : vector<16xi32>
        %swap3A_776 = arith.constant 0 : index
        %swap3A_777 = tpu.vector_load %arg9[%swap3A_776] {strides = array<i32>} : memref<128xi32, #tpu.memory_space<vmem>>, vector<16xi32>,
        %swap3A_778 = vector.shape_cast %swap3A_777 : vector<16xi32> to vector<16xi32>
        %swap3A_779 = vector.shape_cast %add3A_775 : vector<16xi32> to vector<16xi32>
        tpu.vector_store %arg9[%swap3A_776], %swap3A_779 {strides = array<i32>} : memref<128xi32, #tpu.memory_space<vmem>>, vector<16xi32>,
        %get3A_780 = arith.index_cast %add3A_767 : i32 to index
        %get3A_781 = tpu.vector_load %arg7[%get3A_780] {strides = array<i32>} : memref<20000xi32, #tpu.memory_space<vmem>>, vector<16xi32>,
        %get3A_782 = vector.shape_cast %get3A_781 : vector<16xi32> to vector<16xi32>
        %swap3A_783 = arith.constant 0 : index
        %swap3A_784 = tpu.vector_load %arg13[%swap3A_783] {strides = array<i32>} : memref<128xi32, #tpu.memory_space<vmem>>, vector<16xi32>,
        %swap3A_785 = vector.shape_cast %swap3A_784 : vector<16xi32> to vector<16xi32>
        %swap3A_786 = vector.shape_cast %get3A_782 : vector<16xi32> to vector<16xi32>
        tpu.vector_store %arg13[%swap3A_783], %swap3A_786 {strides = array<i32>} : memref<128xi32, #tpu.memory_space<vmem>>, vector<16xi32>,
        %mul3A_787 = arith.constant 128 : i32
        %mul3A_788 = arith.muli %add3A_730, %mul3A_787 : i32
        %add3A_789 = arith.constant 16 : i32
        %add3A_790 = arith.addi %mul3A_788, %add3A_789 : i32
        %get3A_791 = arith.index_cast %add3A_790 : i32 to index
        %get3A_792 = tpu.vector_load %arg6[%get3A_791] {strides = array<i32>} : memref<20000xi32, #tpu.memory_space<vmem>>, vector<16xi32>,
        %get3A_793 = vector.shape_cast %get3A_792 : vector<16xi32> to vector<16xi32>
        %mul3A_794 = arith.constant 2 : i32
        %mul3A_795 = vector.broadcast %mul3A_794 : i32 to vector<16xi32>
        %mul3A_796 = arith.muli %get3A_793, %mul3A_795 : vector<16xi32>
        %add3A_797 = vector.broadcast %arg0 : i32 to vector<16xi32>
        %add3A_798 = arith.addi %mul3A_796, %add3A_797 : vector<16xi32>
        %swap3A_799 = arith.constant 16 : index
        %swap3A_800 = tpu.vector_load %arg9[%swap3A_799] {strides = array<i32>} : memref<128xi32, #tpu.memory_space<vmem>>, vector<16xi32>,
        %swap3A_801 = vector.shape_cast %swap3A_800 : vector<16xi32> to vector<16xi32>
        %swap3A_802 = vector.shape_cast %add3A_798 : vector<16xi32> to vector<16xi32>
        tpu.vector_store %arg9[%swap3A_799], %swap3A_802 {strides = array<i32>} : memref<128xi32, #tpu.memory_space<vmem>>, vector<16xi32>,
        %get3A_803 = arith.index_cast %add3A_790 : i32 to index
        %get3A_804 = tpu.vector_load %arg7[%get3A_803] {strides = array<i32>} : memref<20000xi32, #tpu.memory_space<vmem>>, vector<16xi32>,
        %get3A_805 = vector.shape_cast %get3A_804 : vector<16xi32> to vector<16xi32>
        %swap3A_806 = arith.constant 16 : index
        %swap3A_807 = tpu.vector_load %arg13[%swap3A_806] {strides = array<i32>} : memref<128xi32, #tpu.memory_space<vmem>>, vector<16xi32>,
        %swap3A_808 = vector.shape_cast %swap3A_807 : vector<16xi32> to vector<16xi32>
        %swap3A_809 = vector.shape_cast %get3A_805 : vector<16xi32> to vector<16xi32>
        tpu.vector_store %arg13[%swap3A_806], %swap3A_809 {strides = array<i32>} : memref<128xi32, #tpu.memory_space<vmem>>, vector<16xi32>,
        %mul3A_810 = arith.constant 128 : i32
        %mul3A_811 = arith.muli %add3A_730, %mul3A_810 : i32
        %add3A_812 = arith.constant 32 : i32
        %add3A_813 = arith.addi %mul3A_811, %add3A_812 : i32
        %get3A_814 = arith.index_cast %add3A_813 : i32 to index
        %get3A_815 = tpu.vector_load %arg6[%get3A_814] {strides = array<i32>} : memref<20000xi32, #tpu.memory_space<vmem>>, vector<16xi32>,
        %get3A_816 = vector.shape_cast %get3A_815 : vector<16xi32> to vector<16xi32>
        %mul3A_817 = arith.constant 2 : i32
        %mul3A_818 = vector.broadcast %mul3A_817 : i32 to vector<16xi32>
        %mul3A_819 = arith.muli %get3A_816, %mul3A_818 : vector<16xi32>
        %add3A_820 = vector.broadcast %arg0 : i32 to vector<16xi32>
        %add3A_821 = arith.addi %mul3A_819, %add3A_820 : vector<16xi32>
        %swap3A_822 = arith.constant 32 : index
        %swap3A_823 = tpu.vector_load %arg9[%swap3A_822] {strides = array<i32>} : memref<128xi32, #tpu.memory_space<vmem>>, vector<16xi32>,
        %swap3A_824 = vector.shape_cast %swap3A_823 : vector<16xi32> to vector<16xi32>
        %swap3A_825 = vector.shape_cast %add3A_821 : vector<16xi32> to vector<16xi32>
        tpu.vector_store %arg9[%swap3A_822], %swap3A_825 {strides = array<i32>} : memref<128xi32, #tpu.memory_space<vmem>>, vector<16xi32>,
        %get3A_826 = arith.index_cast %add3A_813 : i32 to index
        %get3A_827 = tpu.vector_load %arg7[%get3A_826] {strides = array<i32>} : memref<20000xi32, #tpu.memory_space<vmem>>, vector<16xi32>,
        %get3A_828 = vector.shape_cast %get3A_827 : vector<16xi32> to vector<16xi32>
        %swap3A_829 = arith.constant 32 : index
        %swap3A_830 = tpu.vector_load %arg13[%swap3A_829] {strides = array<i32>} : memref<128xi32, #tpu.memory_space<vmem>>, vector<16xi32>,
        %swap3A_831 = vector.shape_cast %swap3A_830 : vector<16xi32> to vector<16xi32>
        %swap3A_832 = vector.shape_cast %get3A_828 : vector<16xi32> to vector<16xi32>
        tpu.vector_store %arg13[%swap3A_829], %swap3A_832 {strides = array<i32>} : memref<128xi32, #tpu.memory_space<vmem>>, vector<16xi32>,
        %mul3A_833 = arith.constant 128 : i32
        %mul3A_834 = arith.muli %add3A_730, %mul3A_833 : i32
        %add3A_835 = arith.constant 48 : i32
        %add3A_836 = arith.addi %mul3A_834, %add3A_835 : i32
        %get3A_837 = arith.index_cast %add3A_836 : i32 to index
        %get3A_838 = tpu.vector_load %arg6[%get3A_837] {strides = array<i32>} : memref<20000xi32, #tpu.memory_space<vmem>>, vector<16xi32>,
        %get3A_839 = vector.shape_cast %get3A_838 : vector<16xi32> to vector<16xi32>
        %mul3A_840 = arith.constant 2 : i32
        %mul3A_841 = vector.broadcast %mul3A_840 : i32 to vector<16xi32>
        %mul3A_842 = arith.muli %get3A_839, %mul3A_841 : vector<16xi32>
        %add3A_843 = vector.broadcast %arg0 : i32 to vector<16xi32>
        %add3A_844 = arith.addi %mul3A_842, %add3A_843 : vector<16xi32>
        %swap3A_845 = arith.constant 48 : index
        %swap3A_846 = tpu.vector_load %arg9[%swap3A_845] {strides = array<i32>} : memref<128xi32, #tpu.memory_space<vmem>>, vector<16xi32>,
        %swap3A_847 = vector.shape_cast %swap3A_846 : vector<16xi32> to vector<16xi32>
        %swap3A_848 = vector.shape_cast %add3A_844 : vector<16xi32> to vector<16xi32>
        tpu.vector_store %arg9[%swap3A_845], %swap3A_848 {strides = array<i32>} : memref<128xi32, #tpu.memory_space<vmem>>, vector<16xi32>,
        %get3A_849 = arith.index_cast %add3A_836 : i32 to index
        %get3A_850 = tpu.vector_load %arg7[%get3A_849] {strides = array<i32>} : memref<20000xi32, #tpu.memory_space<vmem>>, vector<16xi32>,
        %get3A_851 = vector.shape_cast %get3A_850 : vector<16xi32> to vector<16xi32>
        %swap3A_852 = arith.constant 48 : index
        %swap3A_853 = tpu.vector_load %arg13[%swap3A_852] {strides = array<i32>} : memref<128xi32, #tpu.memory_space<vmem>>, vector<16xi32>,
        %swap3A_854 = vector.shape_cast %swap3A_853 : vector<16xi32> to vector<16xi32>
        %swap3A_855 = vector.shape_cast %get3A_851 : vector<16xi32> to vector<16xi32>
        tpu.vector_store %arg13[%swap3A_852], %swap3A_855 {strides = array<i32>} : memref<128xi32, #tpu.memory_space<vmem>>, vector<16xi32>,
        %mul3A_856 = arith.constant 128 : i32
        %mul3A_857 = arith.muli %add3A_730, %mul3A_856 : i32
        %add3A_858 = arith.constant 64 : i32
        %add3A_859 = arith.addi %mul3A_857, %add3A_858 : i32
        %get3A_860 = arith.index_cast %add3A_859 : i32 to index
        %get3A_861 = tpu.vector_load %arg6[%get3A_860] {strides = array<i32>} : memref<20000xi32, #tpu.memory_space<vmem>>, vector<16xi32>,
        %get3A_862 = vector.shape_cast %get3A_861 : vector<16xi32> to vector<16xi32>
        %mul3A_863 = arith.constant 2 : i32
        %mul3A_864 = vector.broadcast %mul3A_863 : i32 to vector<16xi32>
        %mul3A_865 = arith.muli %get3A_862, %mul3A_864 : vector<16xi32>
        %add3A_866 = vector.broadcast %arg0 : i32 to vector<16xi32>
        %add3A_867 = arith.addi %mul3A_865, %add3A_866 : vector<16xi32>
        %swap3A_868 = arith.constant 64 : index
        %swap3A_869 = tpu.vector_load %arg9[%swap3A_868] {strides = array<i32>} : memref<128xi32, #tpu.memory_space<vmem>>, vector<16xi32>,
        %swap3A_870 = vector.shape_cast %swap3A_869 : vector<16xi32> to vector<16xi32>
        %swap3A_871 = vector.shape_cast %add3A_867 : vector<16xi32> to vector<16xi32>
        tpu.vector_store %arg9[%swap3A_868], %swap3A_871 {strides = array<i32>} : memref<128xi32, #tpu.memory_space<vmem>>, vector<16xi32>,
        %get3A_872 = arith.index_cast %add3A_859 : i32 to index
        %get3A_873 = tpu.vector_load %arg7[%get3A_872] {strides = array<i32>} : memref<20000xi32, #tpu.memory_space<vmem>>, vector<16xi32>,
        %get3A_874 = vector.shape_cast %get3A_873 : vector<16xi32> to vector<16xi32>
        %swap3A_875 = arith.constant 64 : index
        %swap3A_876 = tpu.vector_load %arg13[%swap3A_875] {strides = array<i32>} : memref<128xi32, #tpu.memory_space<vmem>>, vector<16xi32>,
        %swap3A_877 = vector.shape_cast %swap3A_876 : vector<16xi32> to vector<16xi32>
        %swap3A_878 = vector.shape_cast %get3A_874 : vector<16xi32> to vector<16xi32>
        tpu.vector_store %arg13[%swap3A_875], %swap3A_878 {strides = array<i32>} : memref<128xi32, #tpu.memory_space<vmem>>, vector<16xi32>,
        %mul3A_879 = arith.constant 128 : i32
        %mul3A_880 = arith.muli %add3A_730, %mul3A_879 : i32
        %add3A_881 = arith.constant 80 : i32
        %add3A_882 = arith.addi %mul3A_880, %add3A_881 : i32
        %get3A_883 = arith.index_cast %add3A_882 : i32 to index
        %get3A_884 = tpu.vector_load %arg6[%get3A_883] {strides = array<i32>} : memref<20000xi32, #tpu.memory_space<vmem>>, vector<16xi32>,
        %get3A_885 = vector.shape_cast %get3A_884 : vector<16xi32> to vector<16xi32>
        %mul3A_886 = arith.constant 2 : i32
        %mul3A_887 = vector.broadcast %mul3A_886 : i32 to vector<16xi32>
        %mul3A_888 = arith.muli %get3A_885, %mul3A_887 : vector<16xi32>
        %add3A_889 = vector.broadcast %arg0 : i32 to vector<16xi32>
        %add3A_890 = arith.addi %mul3A_888, %add3A_889 : vector<16xi32>
        %swap3A_891 = arith.constant 80 : index
        %swap3A_892 = tpu.vector_load %arg9[%swap3A_891] {strides = array<i32>} : memref<128xi32, #tpu.memory_space<vmem>>, vector<16xi32>,
        %swap3A_893 = vector.shape_cast %swap3A_892 : vector<16xi32> to vector<16xi32>
        %swap3A_894 = vector.shape_cast %add3A_890 : vector<16xi32> to vector<16xi32>
        tpu.vector_store %arg9[%swap3A_891], %swap3A_894 {strides = array<i32>} : memref<128xi32, #tpu.memory_space<vmem>>, vector<16xi32>,
        %get3A_895 = arith.index_cast %add3A_882 : i32 to index
        %get3A_896 = tpu.vector_load %arg7[%get3A_895] {strides = array<i32>} : memref<20000xi32, #tpu.memory_space<vmem>>, vector<16xi32>,
        %get3A_897 = vector.shape_cast %get3A_896 : vector<16xi32> to vector<16xi32>
        %swap3A_898 = arith.constant 80 : index
        %swap3A_899 = tpu.vector_load %arg13[%swap3A_898] {strides = array<i32>} : memref<128xi32, #tpu.memory_space<vmem>>, vector<16xi32>,
        %swap3A_900 = vector.shape_cast %swap3A_899 : vector<16xi32> to vector<16xi32>
        %swap3A_901 = vector.shape_cast %get3A_897 : vector<16xi32> to vector<16xi32>
        tpu.vector_store %arg13[%swap3A_898], %swap3A_901 {strides = array<i32>} : memref<128xi32, #tpu.memory_space<vmem>>, vector<16xi32>,
        %mul3A_902 = arith.constant 128 : i32
        %mul3A_903 = arith.muli %add3A_730, %mul3A_902 : i32
        %add3A_904 = arith.constant 96 : i32
        %add3A_905 = arith.addi %mul3A_903, %add3A_904 : i32
        %get3A_906 = arith.index_cast %add3A_905 : i32 to index
        %get3A_907 = tpu.vector_load %arg6[%get3A_906] {strides = array<i32>} : memref<20000xi32, #tpu.memory_space<vmem>>, vector<16xi32>,
        %get3A_908 = vector.shape_cast %get3A_907 : vector<16xi32> to vector<16xi32>
        %mul3A_909 = arith.constant 2 : i32
        %mul3A_910 = vector.broadcast %mul3A_909 : i32 to vector<16xi32>
        %mul3A_911 = arith.muli %get3A_908, %mul3A_910 : vector<16xi32>
        %add3A_912 = vector.broadcast %arg0 : i32 to vector<16xi32>
        %add3A_913 = arith.addi %mul3A_911, %add3A_912 : vector<16xi32>
        %swap3A_914 = arith.constant 96 : index
        %swap3A_915 = tpu.vector_load %arg9[%swap3A_914] {strides = array<i32>} : memref<128xi32, #tpu.memory_space<vmem>>, vector<16xi32>,
        %swap3A_916 = vector.shape_cast %swap3A_915 : vector<16xi32> to vector<16xi32>
        %swap3A_917 = vector.shape_cast %add3A_913 : vector<16xi32> to vector<16xi32>
        tpu.vector_store %arg9[%swap3A_914], %swap3A_917 {strides = array<i32>} : memref<128xi32, #tpu.memory_space<vmem>>, vector<16xi32>,
        %get3A_918 = arith.index_cast %add3A_905 : i32 to index
        %get3A_919 = tpu.vector_load %arg7[%get3A_918] {strides = array<i32>} : memref<20000xi32, #tpu.memory_space<vmem>>, vector<16xi32>,
        %get3A_920 = vector.shape_cast %get3A_919 : vector<16xi32> to vector<16xi32>
        %swap3A_921 = arith.constant 96 : index
        %swap3A_922 = tpu.vector_load %arg13[%swap3A_921] {strides = array<i32>} : memref<128xi32, #tpu.memory_space<vmem>>, vector<16xi32>,
        %swap3A_923 = vector.shape_cast %swap3A_922 : vector<16xi32> to vector<16xi32>
        %swap3A_924 = vector.shape_cast %get3A_920 : vector<16xi32> to vector<16xi32>
        tpu.vector_store %arg13[%swap3A_921], %swap3A_924 {strides = array<i32>} : memref<128xi32, #tpu.memory_space<vmem>>, vector<16xi32>,
        %mul3A_925 = arith.constant 128 : i32
        %mul3A_926 = arith.muli %add3A_730, %mul3A_925 : i32
        %add3A_927 = arith.constant 112 : i32
        %add3A_928 = arith.addi %mul3A_926, %add3A_927 : i32
        %get3A_929 = arith.index_cast %add3A_928 : i32 to index
        %get3A_930 = tpu.vector_load %arg6[%get3A_929] {strides = array<i32>} : memref<20000xi32, #tpu.memory_space<vmem>>, vector<16xi32>,
        %get3A_931 = vector.shape_cast %get3A_930 : vector<16xi32> to vector<16xi32>
        %mul3A_932 = arith.constant 2 : i32
        %mul3A_933 = vector.broadcast %mul3A_932 : i32 to vector<16xi32>
        %mul3A_934 = arith.muli %get3A_931, %mul3A_933 : vector<16xi32>
        %add3A_935 = vector.broadcast %arg0 : i32 to vector<16xi32>
        %add3A_936 = arith.addi %mul3A_934, %add3A_935 : vector<16xi32>
        %swap3A_937 = arith.constant 112 : index
        %swap3A_938 = tpu.vector_load %arg9[%swap3A_937] {strides = array<i32>} : memref<128xi32, #tpu.memory_space<vmem>>, vector<16xi32>,
        %swap3A_939 = vector.shape_cast %swap3A_938 : vector<16xi32> to vector<16xi32>
        %swap3A_940 = vector.shape_cast %add3A_936 : vector<16xi32> to vector<16xi32>
        tpu.vector_store %arg9[%swap3A_937], %swap3A_940 {strides = array<i32>} : memref<128xi32, #tpu.memory_space<vmem>>, vector<16xi32>,
        %get3A_941 = arith.index_cast %add3A_928 : i32 to index
        %get3A_942 = tpu.vector_load %arg7[%get3A_941] {strides = array<i32>} : memref<20000xi32, #tpu.memory_space<vmem>>, vector<16xi32>,
        %get3A_943 = vector.shape_cast %get3A_942 : vector<16xi32> to vector<16xi32>
        %swap3A_944 = arith.constant 112 : index
        %swap3A_945 = tpu.vector_load %arg13[%swap3A_944] {strides = array<i32>} : memref<128xi32, #tpu.memory_space<vmem>>, vector<16xi32>,
        %swap3A_946 = vector.shape_cast %swap3A_945 : vector<16xi32> to vector<16xi32>
        %swap3A_947 = vector.shape_cast %get3A_943 : vector<16xi32> to vector<16xi32>
        tpu.vector_store %arg13[%swap3A_944], %swap3A_947 {strides = array<i32>} : memref<128xi32, #tpu.memory_space<vmem>>, vector<16xi32>,
        %dma_start3A_948 = arith.constant 0 : i32
        %dma_start3A_949 = arith.constant 0 : i32
        %dma_start3A_950 = tpu.memref_slice %arg2[%dma_start3A_948, %dma_start3A_949] : memref<20000x64xf32, #tpu.memory_space<hbm>> -> memref<20000x64xf32, #tpu.memory_space<hbm>>
        tpu.enqueue_indirect_dma source(%dma_start3A_950 : memref<20000x64xf32, #tpu.memory_space<hbm>>) target(%arg17 : memref<128x64xf32, #tpu.memory_space<vmem>>) offsets(%arg9 : memref<128xi32, #tpu.memory_space<vmem>>) semaphore(%arg26 : memref<!tpu.dma_semaphore, #tpu.memory_space<semaphore_mem>>)
      } else {
      }
      %mul3A_736 = arith.constant 4 : i32
      %mul3A_737 = arith.muli %scan3A_686, %mul3A_736 : i32
      %add3A_738 = arith.constant 2 : i32
      %add3A_739 = arith.addi %mul3A_737, %add3A_738 : i32
      %dma_wait3A_740 = arith.constant 0 : i32
      %dma_wait3A_741 = arith.constant 0 : i32
      %dma_wait3A_742 = tpu.memref_slice %arg24[%dma_wait3A_740, %dma_wait3A_741] : memref<10000x64xf32, #tpu.memory_space<vmem_shared>> -> memref<10000x64xf32, #tpu.memory_space<vmem_shared>>
      tpu.wait_indirect_dma semaphore(%arg31 : memref<!tpu.dma_semaphore, #tpu.memory_space<semaphore_mem>>) src(%arg18 : memref<128x64xf32, #tpu.memory_space<vmem>>) dst(%dma_wait3A_742 : memref<10000x64xf32, #tpu.memory_space<vmem_shared>>)
      %add3A_743 = arith.constant 4 : i32
      %add3A_744 = arith.addi %add3A_739, %add3A_743 : i32
      %lt3A_745 = arith.constant 156 : i32
      %lt3A_746 = arith.cmpi slt, %add3A_744, %lt3A_745 : i32
      %convert_element_type3A_747 = arith.extui %lt3A_746 : i1 to i32
      %cond3A_748 = arith.constant 0 : i32
      %cond3A_749 = arith.cmpi ne, %convert_element_type3A_747, %cond3A_748 : i32
      scf.if %cond3A_749 {
        %mul3A_764 = arith.constant 128 : i32
        %mul3A_765 = arith.muli %add3A_744, %mul3A_764 : i32
        %add3A_766 = arith.constant 0 : i32
        %add3A_767 = arith.addi %mul3A_765, %add3A_766 : i32
        %get3A_768 = arith.index_cast %add3A_767 : i32 to index
        %get3A_769 = tpu.vector_load %arg6[%get3A_768] {strides = array<i32>} : memref<20000xi32, #tpu.memory_space<vmem>>, vector<16xi32>,
        %get3A_770 = vector.shape_cast %get3A_769 : vector<16xi32> to vector<16xi32>
        %mul3A_771 = arith.constant 2 : i32
        %mul3A_772 = vector.broadcast %mul3A_771 : i32 to vector<16xi32>
        %mul3A_773 = arith.muli %get3A_770, %mul3A_772 : vector<16xi32>
        %add3A_774 = vector.broadcast %arg0 : i32 to vector<16xi32>
        %add3A_775 = arith.addi %mul3A_773, %add3A_774 : vector<16xi32>
        %swap3A_776 = arith.constant 0 : index
        %swap3A_777 = tpu.vector_load %arg10[%swap3A_776] {strides = array<i32>} : memref<128xi32, #tpu.memory_space<vmem>>, vector<16xi32>,
        %swap3A_778 = vector.shape_cast %swap3A_777 : vector<16xi32> to vector<16xi32>
        %swap3A_779 = vector.shape_cast %add3A_775 : vector<16xi32> to vector<16xi32>
        tpu.vector_store %arg10[%swap3A_776], %swap3A_779 {strides = array<i32>} : memref<128xi32, #tpu.memory_space<vmem>>, vector<16xi32>,
        %get3A_780 = arith.index_cast %add3A_767 : i32 to index
        %get3A_781 = tpu.vector_load %arg7[%get3A_780] {strides = array<i32>} : memref<20000xi32, #tpu.memory_space<vmem>>, vector<16xi32>,
        %get3A_782 = vector.shape_cast %get3A_781 : vector<16xi32> to vector<16xi32>
        %swap3A_783 = arith.constant 0 : index
        %swap3A_784 = tpu.vector_load %arg14[%swap3A_783] {strides = array<i32>} : memref<128xi32, #tpu.memory_space<vmem>>, vector<16xi32>,
        %swap3A_785 = vector.shape_cast %swap3A_784 : vector<16xi32> to vector<16xi32>
        %swap3A_786 = vector.shape_cast %get3A_782 : vector<16xi32> to vector<16xi32>
        tpu.vector_store %arg14[%swap3A_783], %swap3A_786 {strides = array<i32>} : memref<128xi32, #tpu.memory_space<vmem>>, vector<16xi32>,
        %mul3A_787 = arith.constant 128 : i32
        %mul3A_788 = arith.muli %add3A_744, %mul3A_787 : i32
        %add3A_789 = arith.constant 16 : i32
        %add3A_790 = arith.addi %mul3A_788, %add3A_789 : i32
        %get3A_791 = arith.index_cast %add3A_790 : i32 to index
        %get3A_792 = tpu.vector_load %arg6[%get3A_791] {strides = array<i32>} : memref<20000xi32, #tpu.memory_space<vmem>>, vector<16xi32>,
        %get3A_793 = vector.shape_cast %get3A_792 : vector<16xi32> to vector<16xi32>
        %mul3A_794 = arith.constant 2 : i32
        %mul3A_795 = vector.broadcast %mul3A_794 : i32 to vector<16xi32>
        %mul3A_796 = arith.muli %get3A_793, %mul3A_795 : vector<16xi32>
        %add3A_797 = vector.broadcast %arg0 : i32 to vector<16xi32>
        %add3A_798 = arith.addi %mul3A_796, %add3A_797 : vector<16xi32>
        %swap3A_799 = arith.constant 16 : index
        %swap3A_800 = tpu.vector_load %arg10[%swap3A_799] {strides = array<i32>} : memref<128xi32, #tpu.memory_space<vmem>>, vector<16xi32>,
        %swap3A_801 = vector.shape_cast %swap3A_800 : vector<16xi32> to vector<16xi32>
        %swap3A_802 = vector.shape_cast %add3A_798 : vector<16xi32> to vector<16xi32>
        tpu.vector_store %arg10[%swap3A_799], %swap3A_802 {strides = array<i32>} : memref<128xi32, #tpu.memory_space<vmem>>, vector<16xi32>,
        %get3A_803 = arith.index_cast %add3A_790 : i32 to index
        %get3A_804 = tpu.vector_load %arg7[%get3A_803] {strides = array<i32>} : memref<20000xi32, #tpu.memory_space<vmem>>, vector<16xi32>,
        %get3A_805 = vector.shape_cast %get3A_804 : vector<16xi32> to vector<16xi32>
        %swap3A_806 = arith.constant 16 : index
        %swap3A_807 = tpu.vector_load %arg14[%swap3A_806] {strides = array<i32>} : memref<128xi32, #tpu.memory_space<vmem>>, vector<16xi32>,
        %swap3A_808 = vector.shape_cast %swap3A_807 : vector<16xi32> to vector<16xi32>
        %swap3A_809 = vector.shape_cast %get3A_805 : vector<16xi32> to vector<16xi32>
        tpu.vector_store %arg14[%swap3A_806], %swap3A_809 {strides = array<i32>} : memref<128xi32, #tpu.memory_space<vmem>>, vector<16xi32>,
        %mul3A_810 = arith.constant 128 : i32
        %mul3A_811 = arith.muli %add3A_744, %mul3A_810 : i32
        %add3A_812 = arith.constant 32 : i32
        %add3A_813 = arith.addi %mul3A_811, %add3A_812 : i32
        %get3A_814 = arith.index_cast %add3A_813 : i32 to index
        %get3A_815 = tpu.vector_load %arg6[%get3A_814] {strides = array<i32>} : memref<20000xi32, #tpu.memory_space<vmem>>, vector<16xi32>,
        %get3A_816 = vector.shape_cast %get3A_815 : vector<16xi32> to vector<16xi32>
        %mul3A_817 = arith.constant 2 : i32
        %mul3A_818 = vector.broadcast %mul3A_817 : i32 to vector<16xi32>
        %mul3A_819 = arith.muli %get3A_816, %mul3A_818 : vector<16xi32>
        %add3A_820 = vector.broadcast %arg0 : i32 to vector<16xi32>
        %add3A_821 = arith.addi %mul3A_819, %add3A_820 : vector<16xi32>
        %swap3A_822 = arith.constant 32 : index
        %swap3A_823 = tpu.vector_load %arg10[%swap3A_822] {strides = array<i32>} : memref<128xi32, #tpu.memory_space<vmem>>, vector<16xi32>,
        %swap3A_824 = vector.shape_cast %swap3A_823 : vector<16xi32> to vector<16xi32>
        %swap3A_825 = vector.shape_cast %add3A_821 : vector<16xi32> to vector<16xi32>
        tpu.vector_store %arg10[%swap3A_822], %swap3A_825 {strides = array<i32>} : memref<128xi32, #tpu.memory_space<vmem>>, vector<16xi32>,
        %get3A_826 = arith.index_cast %add3A_813 : i32 to index
        %get3A_827 = tpu.vector_load %arg7[%get3A_826] {strides = array<i32>} : memref<20000xi32, #tpu.memory_space<vmem>>, vector<16xi32>,
        %get3A_828 = vector.shape_cast %get3A_827 : vector<16xi32> to vector<16xi32>
        %swap3A_829 = arith.constant 32 : index
        %swap3A_830 = tpu.vector_load %arg14[%swap3A_829] {strides = array<i32>} : memref<128xi32, #tpu.memory_space<vmem>>, vector<16xi32>,
        %swap3A_831 = vector.shape_cast %swap3A_830 : vector<16xi32> to vector<16xi32>
        %swap3A_832 = vector.shape_cast %get3A_828 : vector<16xi32> to vector<16xi32>
        tpu.vector_store %arg14[%swap3A_829], %swap3A_832 {strides = array<i32>} : memref<128xi32, #tpu.memory_space<vmem>>, vector<16xi32>,
        %mul3A_833 = arith.constant 128 : i32
        %mul3A_834 = arith.muli %add3A_744, %mul3A_833 : i32
        %add3A_835 = arith.constant 48 : i32
        %add3A_836 = arith.addi %mul3A_834, %add3A_835 : i32
        %get3A_837 = arith.index_cast %add3A_836 : i32 to index
        %get3A_838 = tpu.vector_load %arg6[%get3A_837] {strides = array<i32>} : memref<20000xi32, #tpu.memory_space<vmem>>, vector<16xi32>,
        %get3A_839 = vector.shape_cast %get3A_838 : vector<16xi32> to vector<16xi32>
        %mul3A_840 = arith.constant 2 : i32
        %mul3A_841 = vector.broadcast %mul3A_840 : i32 to vector<16xi32>
        %mul3A_842 = arith.muli %get3A_839, %mul3A_841 : vector<16xi32>
        %add3A_843 = vector.broadcast %arg0 : i32 to vector<16xi32>
        %add3A_844 = arith.addi %mul3A_842, %add3A_843 : vector<16xi32>
        %swap3A_845 = arith.constant 48 : index
        %swap3A_846 = tpu.vector_load %arg10[%swap3A_845] {strides = array<i32>} : memref<128xi32, #tpu.memory_space<vmem>>, vector<16xi32>,
        %swap3A_847 = vector.shape_cast %swap3A_846 : vector<16xi32> to vector<16xi32>
        %swap3A_848 = vector.shape_cast %add3A_844 : vector<16xi32> to vector<16xi32>
        tpu.vector_store %arg10[%swap3A_845], %swap3A_848 {strides = array<i32>} : memref<128xi32, #tpu.memory_space<vmem>>, vector<16xi32>,
        %get3A_849 = arith.index_cast %add3A_836 : i32 to index
        %get3A_850 = tpu.vector_load %arg7[%get3A_849] {strides = array<i32>} : memref<20000xi32, #tpu.memory_space<vmem>>, vector<16xi32>,
        %get3A_851 = vector.shape_cast %get3A_850 : vector<16xi32> to vector<16xi32>
        %swap3A_852 = arith.constant 48 : index
        %swap3A_853 = tpu.vector_load %arg14[%swap3A_852] {strides = array<i32>} : memref<128xi32, #tpu.memory_space<vmem>>, vector<16xi32>,
        %swap3A_854 = vector.shape_cast %swap3A_853 : vector<16xi32> to vector<16xi32>
        %swap3A_855 = vector.shape_cast %get3A_851 : vector<16xi32> to vector<16xi32>
        tpu.vector_store %arg14[%swap3A_852], %swap3A_855 {strides = array<i32>} : memref<128xi32, #tpu.memory_space<vmem>>, vector<16xi32>,
        %mul3A_856 = arith.constant 128 : i32
        %mul3A_857 = arith.muli %add3A_744, %mul3A_856 : i32
        %add3A_858 = arith.constant 64 : i32
        %add3A_859 = arith.addi %mul3A_857, %add3A_858 : i32
        %get3A_860 = arith.index_cast %add3A_859 : i32 to index
        %get3A_861 = tpu.vector_load %arg6[%get3A_860] {strides = array<i32>} : memref<20000xi32, #tpu.memory_space<vmem>>, vector<16xi32>,
        %get3A_862 = vector.shape_cast %get3A_861 : vector<16xi32> to vector<16xi32>
        %mul3A_863 = arith.constant 2 : i32
        %mul3A_864 = vector.broadcast %mul3A_863 : i32 to vector<16xi32>
        %mul3A_865 = arith.muli %get3A_862, %mul3A_864 : vector<16xi32>
        %add3A_866 = vector.broadcast %arg0 : i32 to vector<16xi32>
        %add3A_867 = arith.addi %mul3A_865, %add3A_866 : vector<16xi32>
        %swap3A_868 = arith.constant 64 : index
        %swap3A_869 = tpu.vector_load %arg10[%swap3A_868] {strides = array<i32>} : memref<128xi32, #tpu.memory_space<vmem>>, vector<16xi32>,
        %swap3A_870 = vector.shape_cast %swap3A_869 : vector<16xi32> to vector<16xi32>
        %swap3A_871 = vector.shape_cast %add3A_867 : vector<16xi32> to vector<16xi32>
        tpu.vector_store %arg10[%swap3A_868], %swap3A_871 {strides = array<i32>} : memref<128xi32, #tpu.memory_space<vmem>>, vector<16xi32>,
        %get3A_872 = arith.index_cast %add3A_859 : i32 to index
        %get3A_873 = tpu.vector_load %arg7[%get3A_872] {strides = array<i32>} : memref<20000xi32, #tpu.memory_space<vmem>>, vector<16xi32>,
        %get3A_874 = vector.shape_cast %get3A_873 : vector<16xi32> to vector<16xi32>
        %swap3A_875 = arith.constant 64 : index
        %swap3A_876 = tpu.vector_load %arg14[%swap3A_875] {strides = array<i32>} : memref<128xi32, #tpu.memory_space<vmem>>, vector<16xi32>,
        %swap3A_877 = vector.shape_cast %swap3A_876 : vector<16xi32> to vector<16xi32>
        %swap3A_878 = vector.shape_cast %get3A_874 : vector<16xi32> to vector<16xi32>
        tpu.vector_store %arg14[%swap3A_875], %swap3A_878 {strides = array<i32>} : memref<128xi32, #tpu.memory_space<vmem>>, vector<16xi32>,
        %mul3A_879 = arith.constant 128 : i32
        %mul3A_880 = arith.muli %add3A_744, %mul3A_879 : i32
        %add3A_881 = arith.constant 80 : i32
        %add3A_882 = arith.addi %mul3A_880, %add3A_881 : i32
        %get3A_883 = arith.index_cast %add3A_882 : i32 to index
        %get3A_884 = tpu.vector_load %arg6[%get3A_883] {strides = array<i32>} : memref<20000xi32, #tpu.memory_space<vmem>>, vector<16xi32>,
        %get3A_885 = vector.shape_cast %get3A_884 : vector<16xi32> to vector<16xi32>
        %mul3A_886 = arith.constant 2 : i32
        %mul3A_887 = vector.broadcast %mul3A_886 : i32 to vector<16xi32>
        %mul3A_888 = arith.muli %get3A_885, %mul3A_887 : vector<16xi32>
        %add3A_889 = vector.broadcast %arg0 : i32 to vector<16xi32>
        %add3A_890 = arith.addi %mul3A_888, %add3A_889 : vector<16xi32>
        %swap3A_891 = arith.constant 80 : index
        %swap3A_892 = tpu.vector_load %arg10[%swap3A_891] {strides = array<i32>} : memref<128xi32, #tpu.memory_space<vmem>>, vector<16xi32>,
        %swap3A_893 = vector.shape_cast %swap3A_892 : vector<16xi32> to vector<16xi32>
        %swap3A_894 = vector.shape_cast %add3A_890 : vector<16xi32> to vector<16xi32>
        tpu.vector_store %arg10[%swap3A_891], %swap3A_894 {strides = array<i32>} : memref<128xi32, #tpu.memory_space<vmem>>, vector<16xi32>,
        %get3A_895 = arith.index_cast %add3A_882 : i32 to index
        %get3A_896 = tpu.vector_load %arg7[%get3A_895] {strides = array<i32>} : memref<20000xi32, #tpu.memory_space<vmem>>, vector<16xi32>,
        %get3A_897 = vector.shape_cast %get3A_896 : vector<16xi32> to vector<16xi32>
        %swap3A_898 = arith.constant 80 : index
        %swap3A_899 = tpu.vector_load %arg14[%swap3A_898] {strides = array<i32>} : memref<128xi32, #tpu.memory_space<vmem>>, vector<16xi32>,
        %swap3A_900 = vector.shape_cast %swap3A_899 : vector<16xi32> to vector<16xi32>
        %swap3A_901 = vector.shape_cast %get3A_897 : vector<16xi32> to vector<16xi32>
        tpu.vector_store %arg14[%swap3A_898], %swap3A_901 {strides = array<i32>} : memref<128xi32, #tpu.memory_space<vmem>>, vector<16xi32>,
        %mul3A_902 = arith.constant 128 : i32
        %mul3A_903 = arith.muli %add3A_744, %mul3A_902 : i32
        %add3A_904 = arith.constant 96 : i32
        %add3A_905 = arith.addi %mul3A_903, %add3A_904 : i32
        %get3A_906 = arith.index_cast %add3A_905 : i32 to index
        %get3A_907 = tpu.vector_load %arg6[%get3A_906] {strides = array<i32>} : memref<20000xi32, #tpu.memory_space<vmem>>, vector<16xi32>,
        %get3A_908 = vector.shape_cast %get3A_907 : vector<16xi32> to vector<16xi32>
        %mul3A_909 = arith.constant 2 : i32
        %mul3A_910 = vector.broadcast %mul3A_909 : i32 to vector<16xi32>
        %mul3A_911 = arith.muli %get3A_908, %mul3A_910 : vector<16xi32>
        %add3A_912 = vector.broadcast %arg0 : i32 to vector<16xi32>
        %add3A_913 = arith.addi %mul3A_911, %add3A_912 : vector<16xi32>
        %swap3A_914 = arith.constant 96 : index
        %swap3A_915 = tpu.vector_load %arg10[%swap3A_914] {strides = array<i32>} : memref<128xi32, #tpu.memory_space<vmem>>, vector<16xi32>,
        %swap3A_916 = vector.shape_cast %swap3A_915 : vector<16xi32> to vector<16xi32>
        %swap3A_917 = vector.shape_cast %add3A_913 : vector<16xi32> to vector<16xi32>
        tpu.vector_store %arg10[%swap3A_914], %swap3A_917 {strides = array<i32>} : memref<128xi32, #tpu.memory_space<vmem>>, vector<16xi32>,
        %get3A_918 = arith.index_cast %add3A_905 : i32 to index
        %get3A_919 = tpu.vector_load %arg7[%get3A_918] {strides = array<i32>} : memref<20000xi32, #tpu.memory_space<vmem>>, vector<16xi32>,
        %get3A_920 = vector.shape_cast %get3A_919 : vector<16xi32> to vector<16xi32>
        %swap3A_921 = arith.constant 96 : index
        %swap3A_922 = tpu.vector_load %arg14[%swap3A_921] {strides = array<i32>} : memref<128xi32, #tpu.memory_space<vmem>>, vector<16xi32>,
        %swap3A_923 = vector.shape_cast %swap3A_922 : vector<16xi32> to vector<16xi32>
        %swap3A_924 = vector.shape_cast %get3A_920 : vector<16xi32> to vector<16xi32>
        tpu.vector_store %arg14[%swap3A_921], %swap3A_924 {strides = array<i32>} : memref<128xi32, #tpu.memory_space<vmem>>, vector<16xi32>,
        %mul3A_925 = arith.constant 128 : i32
        %mul3A_926 = arith.muli %add3A_744, %mul3A_925 : i32
        %add3A_927 = arith.constant 112 : i32
        %add3A_928 = arith.addi %mul3A_926, %add3A_927 : i32
        %get3A_929 = arith.index_cast %add3A_928 : i32 to index
        %get3A_930 = tpu.vector_load %arg6[%get3A_929] {strides = array<i32>} : memref<20000xi32, #tpu.memory_space<vmem>>, vector<16xi32>,
        %get3A_931 = vector.shape_cast %get3A_930 : vector<16xi32> to vector<16xi32>
        %mul3A_932 = arith.constant 2 : i32
        %mul3A_933 = vector.broadcast %mul3A_932 : i32 to vector<16xi32>
        %mul3A_934 = arith.muli %get3A_931, %mul3A_933 : vector<16xi32>
        %add3A_935 = vector.broadcast %arg0 : i32 to vector<16xi32>
        %add3A_936 = arith.addi %mul3A_934, %add3A_935 : vector<16xi32>
        %swap3A_937 = arith.constant 112 : index
        %swap3A_938 = tpu.vector_load %arg10[%swap3A_937] {strides = array<i32>} : memref<128xi32, #tpu.memory_space<vmem>>, vector<16xi32>,
        %swap3A_939 = vector.shape_cast %swap3A_938 : vector<16xi32> to vector<16xi32>
        %swap3A_940 = vector.shape_cast %add3A_936 : vector<16xi32> to vector<16xi32>
        tpu.vector_store %arg10[%swap3A_937], %swap3A_940 {strides = array<i32>} : memref<128xi32, #tpu.memory_space<vmem>>, vector<16xi32>,
        %get3A_941 = arith.index_cast %add3A_928 : i32 to index
        %get3A_942 = tpu.vector_load %arg7[%get3A_941] {strides = array<i32>} : memref<20000xi32, #tpu.memory_space<vmem>>, vector<16xi32>,
        %get3A_943 = vector.shape_cast %get3A_942 : vector<16xi32> to vector<16xi32>
        %swap3A_944 = arith.constant 112 : index
        %swap3A_945 = tpu.vector_load %arg14[%swap3A_944] {strides = array<i32>} : memref<128xi32, #tpu.memory_space<vmem>>, vector<16xi32>,
        %swap3A_946 = vector.shape_cast %swap3A_945 : vector<16xi32> to vector<16xi32>
        %swap3A_947 = vector.shape_cast %get3A_943 : vector<16xi32> to vector<16xi32>
        tpu.vector_store %arg14[%swap3A_944], %swap3A_947 {strides = array<i32>} : memref<128xi32, #tpu.memory_space<vmem>>, vector<16xi32>,
        %dma_start3A_948 = arith.constant 0 : i32
        %dma_start3A_949 = arith.constant 0 : i32
        %dma_start3A_950 = tpu.memref_slice %arg2[%dma_start3A_948, %dma_start3A_949] : memref<20000x64xf32, #tpu.memory_space<hbm>> -> memref<20000x64xf32, #tpu.memory_space<hbm>>
        tpu.enqueue_indirect_dma source(%dma_start3A_950 : memref<20000x64xf32, #tpu.memory_space<hbm>>) target(%arg18 : memref<128x64xf32, #tpu.memory_space<vmem>>) offsets(%arg10 : memref<128xi32, #tpu.memory_space<vmem>>) semaphore(%arg27 : memref<!tpu.dma_semaphore, #tpu.memory_space<semaphore_mem>>)
      } else {
      }
      %mul3A_750 = arith.constant 4 : i32
      %mul3A_751 = arith.muli %scan3A_686, %mul3A_750 : i32
      %add3A_752 = arith.constant 3 : i32
      %add3A_753 = arith.addi %mul3A_751, %add3A_752 : i32
      %dma_wait3A_754 = arith.constant 0 : i32
      %dma_wait3A_755 = arith.constant 0 : i32
      %dma_wait3A_756 = tpu.memref_slice %arg24[%dma_wait3A_754, %dma_wait3A_755] : memref<10000x64xf32, #tpu.memory_space<vmem_shared>> -> memref<10000x64xf32, #tpu.memory_space<vmem_shared>>
      tpu.wait_indirect_dma semaphore(%arg32 : memref<!tpu.dma_semaphore, #tpu.memory_space<semaphore_mem>>) src(%arg19 : memref<128x64xf32, #tpu.memory_space<vmem>>) dst(%dma_wait3A_756 : memref<10000x64xf32, #tpu.memory_space<vmem_shared>>)
      %add3A_757 = arith.constant 4 : i32
      %add3A_758 = arith.addi %add3A_753, %add3A_757 : i32
      %lt3A_759 = arith.constant 156 : i32
      %lt3A_760 = arith.cmpi slt, %add3A_758, %lt3A_759 : i32
      %convert_element_type3A_761 = arith.extui %lt3A_760 : i1 to i32
      %cond3A_762 = arith.constant 0 : i32
      %cond3A_763 = arith.cmpi ne, %convert_element_type3A_761, %cond3A_762 : i32
      scf.if %cond3A_763 {
        %mul3A_764 = arith.constant 128 : i32
        %mul3A_765 = arith.muli %add3A_758, %mul3A_764 : i32
        %add3A_766 = arith.constant 0 : i32
        %add3A_767 = arith.addi %mul3A_765, %add3A_766 : i32
        %get3A_768 = arith.index_cast %add3A_767 : i32 to index
        %get3A_769 = tpu.vector_load %arg6[%get3A_768] {strides = array<i32>} : memref<20000xi32, #tpu.memory_space<vmem>>, vector<16xi32>,
        %get3A_770 = vector.shape_cast %get3A_769 : vector<16xi32> to vector<16xi32>
        %mul3A_771 = arith.constant 2 : i32
        %mul3A_772 = vector.broadcast %mul3A_771 : i32 to vector<16xi32>
        %mul3A_773 = arith.muli %get3A_770, %mul3A_772 : vector<16xi32>
        %add3A_774 = vector.broadcast %arg0 : i32 to vector<16xi32>
        %add3A_775 = arith.addi %mul3A_773, %add3A_774 : vector<16xi32>
        %swap3A_776 = arith.constant 0 : index
        %swap3A_777 = tpu.vector_load %arg11[%swap3A_776] {strides = array<i32>} : memref<128xi32, #tpu.memory_space<vmem>>, vector<16xi32>,
        %swap3A_778 = vector.shape_cast %swap3A_777 : vector<16xi32> to vector<16xi32>
        %swap3A_779 = vector.shape_cast %add3A_775 : vector<16xi32> to vector<16xi32>
        tpu.vector_store %arg11[%swap3A_776], %swap3A_779 {strides = array<i32>} : memref<128xi32, #tpu.memory_space<vmem>>, vector<16xi32>,
        %get3A_780 = arith.index_cast %add3A_767 : i32 to index
        %get3A_781 = tpu.vector_load %arg7[%get3A_780] {strides = array<i32>} : memref<20000xi32, #tpu.memory_space<vmem>>, vector<16xi32>,
        %get3A_782 = vector.shape_cast %get3A_781 : vector<16xi32> to vector<16xi32>
        %swap3A_783 = arith.constant 0 : index
        %swap3A_784 = tpu.vector_load %arg15[%swap3A_783] {strides = array<i32>} : memref<128xi32, #tpu.memory_space<vmem>>, vector<16xi32>,
        %swap3A_785 = vector.shape_cast %swap3A_784 : vector<16xi32> to vector<16xi32>
        %swap3A_786 = vector.shape_cast %get3A_782 : vector<16xi32> to vector<16xi32>
        tpu.vector_store %arg15[%swap3A_783], %swap3A_786 {strides = array<i32>} : memref<128xi32, #tpu.memory_space<vmem>>, vector<16xi32>,
        %mul3A_787 = arith.constant 128 : i32
        %mul3A_788 = arith.muli %add3A_758, %mul3A_787 : i32
        %add3A_789 = arith.constant 16 : i32
        %add3A_790 = arith.addi %mul3A_788, %add3A_789 : i32
        %get3A_791 = arith.index_cast %add3A_790 : i32 to index
        %get3A_792 = tpu.vector_load %arg6[%get3A_791] {strides = array<i32>} : memref<20000xi32, #tpu.memory_space<vmem>>, vector<16xi32>,
        %get3A_793 = vector.shape_cast %get3A_792 : vector<16xi32> to vector<16xi32>
        %mul3A_794 = arith.constant 2 : i32
        %mul3A_795 = vector.broadcast %mul3A_794 : i32 to vector<16xi32>
        %mul3A_796 = arith.muli %get3A_793, %mul3A_795 : vector<16xi32>
        %add3A_797 = vector.broadcast %arg0 : i32 to vector<16xi32>
        %add3A_798 = arith.addi %mul3A_796, %add3A_797 : vector<16xi32>
        %swap3A_799 = arith.constant 16 : index
        %swap3A_800 = tpu.vector_load %arg11[%swap3A_799] {strides = array<i32>} : memref<128xi32, #tpu.memory_space<vmem>>, vector<16xi32>,
        %swap3A_801 = vector.shape_cast %swap3A_800 : vector<16xi32> to vector<16xi32>
        %swap3A_802 = vector.shape_cast %add3A_798 : vector<16xi32> to vector<16xi32>
        tpu.vector_store %arg11[%swap3A_799], %swap3A_802 {strides = array<i32>} : memref<128xi32, #tpu.memory_space<vmem>>, vector<16xi32>,
        %get3A_803 = arith.index_cast %add3A_790 : i32 to index
        %get3A_804 = tpu.vector_load %arg7[%get3A_803] {strides = array<i32>} : memref<20000xi32, #tpu.memory_space<vmem>>, vector<16xi32>,
        %get3A_805 = vector.shape_cast %get3A_804 : vector<16xi32> to vector<16xi32>
        %swap3A_806 = arith.constant 16 : index
        %swap3A_807 = tpu.vector_load %arg15[%swap3A_806] {strides = array<i32>} : memref<128xi32, #tpu.memory_space<vmem>>, vector<16xi32>,
        %swap3A_808 = vector.shape_cast %swap3A_807 : vector<16xi32> to vector<16xi32>
        %swap3A_809 = vector.shape_cast %get3A_805 : vector<16xi32> to vector<16xi32>
        tpu.vector_store %arg15[%swap3A_806], %swap3A_809 {strides = array<i32>} : memref<128xi32, #tpu.memory_space<vmem>>, vector<16xi32>,
        %mul3A_810 = arith.constant 128 : i32
        %mul3A_811 = arith.muli %add3A_758, %mul3A_810 : i32
        %add3A_812 = arith.constant 32 : i32
        %add3A_813 = arith.addi %mul3A_811, %add3A_812 : i32
        %get3A_814 = arith.index_cast %add3A_813 : i32 to index
        %get3A_815 = tpu.vector_load %arg6[%get3A_814] {strides = array<i32>} : memref<20000xi32, #tpu.memory_space<vmem>>, vector<16xi32>,
        %get3A_816 = vector.shape_cast %get3A_815 : vector<16xi32> to vector<16xi32>
        %mul3A_817 = arith.constant 2 : i32
        %mul3A_818 = vector.broadcast %mul3A_817 : i32 to vector<16xi32>
        %mul3A_819 = arith.muli %get3A_816, %mul3A_818 : vector<16xi32>
        %add3A_820 = vector.broadcast %arg0 : i32 to vector<16xi32>
        %add3A_821 = arith.addi %mul3A_819, %add3A_820 : vector<16xi32>
        %swap3A_822 = arith.constant 32 : index
        %swap3A_823 = tpu.vector_load %arg11[%swap3A_822] {strides = array<i32>} : memref<128xi32, #tpu.memory_space<vmem>>, vector<16xi32>,
        %swap3A_824 = vector.shape_cast %swap3A_823 : vector<16xi32> to vector<16xi32>
        %swap3A_825 = vector.shape_cast %add3A_821 : vector<16xi32> to vector<16xi32>
        tpu.vector_store %arg11[%swap3A_822], %swap3A_825 {strides = array<i32>} : memref<128xi32, #tpu.memory_space<vmem>>, vector<16xi32>,
        %get3A_826 = arith.index_cast %add3A_813 : i32 to index
        %get3A_827 = tpu.vector_load %arg7[%get3A_826] {strides = array<i32>} : memref<20000xi32, #tpu.memory_space<vmem>>, vector<16xi32>,
        %get3A_828 = vector.shape_cast %get3A_827 : vector<16xi32> to vector<16xi32>
        %swap3A_829 = arith.constant 32 : index
        %swap3A_830 = tpu.vector_load %arg15[%swap3A_829] {strides = array<i32>} : memref<128xi32, #tpu.memory_space<vmem>>, vector<16xi32>,
        %swap3A_831 = vector.shape_cast %swap3A_830 : vector<16xi32> to vector<16xi32>
        %swap3A_832 = vector.shape_cast %get3A_828 : vector<16xi32> to vector<16xi32>
        tpu.vector_store %arg15[%swap3A_829], %swap3A_832 {strides = array<i32>} : memref<128xi32, #tpu.memory_space<vmem>>, vector<16xi32>,
        %mul3A_833 = arith.constant 128 : i32
        %mul3A_834 = arith.muli %add3A_758, %mul3A_833 : i32
        %add3A_835 = arith.constant 48 : i32
        %add3A_836 = arith.addi %mul3A_834, %add3A_835 : i32
        %get3A_837 = arith.index_cast %add3A_836 : i32 to index
        %get3A_838 = tpu.vector_load %arg6[%get3A_837] {strides = array<i32>} : memref<20000xi32, #tpu.memory_space<vmem>>, vector<16xi32>,
        %get3A_839 = vector.shape_cast %get3A_838 : vector<16xi32> to vector<16xi32>
        %mul3A_840 = arith.constant 2 : i32
        %mul3A_841 = vector.broadcast %mul3A_840 : i32 to vector<16xi32>
        %mul3A_842 = arith.muli %get3A_839, %mul3A_841 : vector<16xi32>
        %add3A_843 = vector.broadcast %arg0 : i32 to vector<16xi32>
        %add3A_844 = arith.addi %mul3A_842, %add3A_843 : vector<16xi32>
        %swap3A_845 = arith.constant 48 : index
        %swap3A_846 = tpu.vector_load %arg11[%swap3A_845] {strides = array<i32>} : memref<128xi32, #tpu.memory_space<vmem>>, vector<16xi32>,
        %swap3A_847 = vector.shape_cast %swap3A_846 : vector<16xi32> to vector<16xi32>
        %swap3A_848 = vector.shape_cast %add3A_844 : vector<16xi32> to vector<16xi32>
        tpu.vector_store %arg11[%swap3A_845], %swap3A_848 {strides = array<i32>} : memref<128xi32, #tpu.memory_space<vmem>>, vector<16xi32>,
        %get3A_849 = arith.index_cast %add3A_836 : i32 to index
        %get3A_850 = tpu.vector_load %arg7[%get3A_849] {strides = array<i32>} : memref<20000xi32, #tpu.memory_space<vmem>>, vector<16xi32>,
        %get3A_851 = vector.shape_cast %get3A_850 : vector<16xi32> to vector<16xi32>
        %swap3A_852 = arith.constant 48 : index
        %swap3A_853 = tpu.vector_load %arg15[%swap3A_852] {strides = array<i32>} : memref<128xi32, #tpu.memory_space<vmem>>, vector<16xi32>,
        %swap3A_854 = vector.shape_cast %swap3A_853 : vector<16xi32> to vector<16xi32>
        %swap3A_855 = vector.shape_cast %get3A_851 : vector<16xi32> to vector<16xi32>
        tpu.vector_store %arg15[%swap3A_852], %swap3A_855 {strides = array<i32>} : memref<128xi32, #tpu.memory_space<vmem>>, vector<16xi32>,
        %mul3A_856 = arith.constant 128 : i32
        %mul3A_857 = arith.muli %add3A_758, %mul3A_856 : i32
        %add3A_858 = arith.constant 64 : i32
        %add3A_859 = arith.addi %mul3A_857, %add3A_858 : i32
        %get3A_860 = arith.index_cast %add3A_859 : i32 to index
        %get3A_861 = tpu.vector_load %arg6[%get3A_860] {strides = array<i32>} : memref<20000xi32, #tpu.memory_space<vmem>>, vector<16xi32>,
        %get3A_862 = vector.shape_cast %get3A_861 : vector<16xi32> to vector<16xi32>
        %mul3A_863 = arith.constant 2 : i32
        %mul3A_864 = vector.broadcast %mul3A_863 : i32 to vector<16xi32>
        %mul3A_865 = arith.muli %get3A_862, %mul3A_864 : vector<16xi32>
        %add3A_866 = vector.broadcast %arg0 : i32 to vector<16xi32>
        %add3A_867 = arith.addi %mul3A_865, %add3A_866 : vector<16xi32>
        %swap3A_868 = arith.constant 64 : index
        %swap3A_869 = tpu.vector_load %arg11[%swap3A_868] {strides = array<i32>} : memref<128xi32, #tpu.memory_space<vmem>>, vector<16xi32>,
        %swap3A_870 = vector.shape_cast %swap3A_869 : vector<16xi32> to vector<16xi32>
        %swap3A_871 = vector.shape_cast %add3A_867 : vector<16xi32> to vector<16xi32>
        tpu.vector_store %arg11[%swap3A_868], %swap3A_871 {strides = array<i32>} : memref<128xi32, #tpu.memory_space<vmem>>, vector<16xi32>,
        %get3A_872 = arith.index_cast %add3A_859 : i32 to index
        %get3A_873 = tpu.vector_load %arg7[%get3A_872] {strides = array<i32>} : memref<20000xi32, #tpu.memory_space<vmem>>, vector<16xi32>,
        %get3A_874 = vector.shape_cast %get3A_873 : vector<16xi32> to vector<16xi32>
        %swap3A_875 = arith.constant 64 : index
        %swap3A_876 = tpu.vector_load %arg15[%swap3A_875] {strides = array<i32>} : memref<128xi32, #tpu.memory_space<vmem>>, vector<16xi32>,
        %swap3A_877 = vector.shape_cast %swap3A_876 : vector<16xi32> to vector<16xi32>
        %swap3A_878 = vector.shape_cast %get3A_874 : vector<16xi32> to vector<16xi32>
        tpu.vector_store %arg15[%swap3A_875], %swap3A_878 {strides = array<i32>} : memref<128xi32, #tpu.memory_space<vmem>>, vector<16xi32>,
        %mul3A_879 = arith.constant 128 : i32
        %mul3A_880 = arith.muli %add3A_758, %mul3A_879 : i32
        %add3A_881 = arith.constant 80 : i32
        %add3A_882 = arith.addi %mul3A_880, %add3A_881 : i32
        %get3A_883 = arith.index_cast %add3A_882 : i32 to index
        %get3A_884 = tpu.vector_load %arg6[%get3A_883] {strides = array<i32>} : memref<20000xi32, #tpu.memory_space<vmem>>, vector<16xi32>,
        %get3A_885 = vector.shape_cast %get3A_884 : vector<16xi32> to vector<16xi32>
        %mul3A_886 = arith.constant 2 : i32
        %mul3A_887 = vector.broadcast %mul3A_886 : i32 to vector<16xi32>
        %mul3A_888 = arith.muli %get3A_885, %mul3A_887 : vector<16xi32>
        %add3A_889 = vector.broadcast %arg0 : i32 to vector<16xi32>
        %add3A_890 = arith.addi %mul3A_888, %add3A_889 : vector<16xi32>
        %swap3A_891 = arith.constant 80 : index
        %swap3A_892 = tpu.vector_load %arg11[%swap3A_891] {strides = array<i32>} : memref<128xi32, #tpu.memory_space<vmem>>, vector<16xi32>,
        %swap3A_893 = vector.shape_cast %swap3A_892 : vector<16xi32> to vector<16xi32>
        %swap3A_894 = vector.shape_cast %add3A_890 : vector<16xi32> to vector<16xi32>
        tpu.vector_store %arg11[%swap3A_891], %swap3A_894 {strides = array<i32>} : memref<128xi32, #tpu.memory_space<vmem>>, vector<16xi32>,
        %get3A_895 = arith.index_cast %add3A_882 : i32 to index
        %get3A_896 = tpu.vector_load %arg7[%get3A_895] {strides = array<i32>} : memref<20000xi32, #tpu.memory_space<vmem>>, vector<16xi32>,
        %get3A_897 = vector.shape_cast %get3A_896 : vector<16xi32> to vector<16xi32>
        %swap3A_898 = arith.constant 80 : index
        %swap3A_899 = tpu.vector_load %arg15[%swap3A_898] {strides = array<i32>} : memref<128xi32, #tpu.memory_space<vmem>>, vector<16xi32>,
        %swap3A_900 = vector.shape_cast %swap3A_899 : vector<16xi32> to vector<16xi32>
        %swap3A_901 = vector.shape_cast %get3A_897 : vector<16xi32> to vector<16xi32>
        tpu.vector_store %arg15[%swap3A_898], %swap3A_901 {strides = array<i32>} : memref<128xi32, #tpu.memory_space<vmem>>, vector<16xi32>,
        %mul3A_902 = arith.constant 128 : i32
        %mul3A_903 = arith.muli %add3A_758, %mul3A_902 : i32
        %add3A_904 = arith.constant 96 : i32
        %add3A_905 = arith.addi %mul3A_903, %add3A_904 : i32
        %get3A_906 = arith.index_cast %add3A_905 : i32 to index
        %get3A_907 = tpu.vector_load %arg6[%get3A_906] {strides = array<i32>} : memref<20000xi32, #tpu.memory_space<vmem>>, vector<16xi32>,
        %get3A_908 = vector.shape_cast %get3A_907 : vector<16xi32> to vector<16xi32>
        %mul3A_909 = arith.constant 2 : i32
        %mul3A_910 = vector.broadcast %mul3A_909 : i32 to vector<16xi32>
        %mul3A_911 = arith.muli %get3A_908, %mul3A_910 : vector<16xi32>
        %add3A_912 = vector.broadcast %arg0 : i32 to vector<16xi32>
        %add3A_913 = arith.addi %mul3A_911, %add3A_912 : vector<16xi32>
        %swap3A_914 = arith.constant 96 : index
        %swap3A_915 = tpu.vector_load %arg11[%swap3A_914] {strides = array<i32>} : memref<128xi32, #tpu.memory_space<vmem>>, vector<16xi32>,
        %swap3A_916 = vector.shape_cast %swap3A_915 : vector<16xi32> to vector<16xi32>
        %swap3A_917 = vector.shape_cast %add3A_913 : vector<16xi32> to vector<16xi32>
        tpu.vector_store %arg11[%swap3A_914], %swap3A_917 {strides = array<i32>} : memref<128xi32, #tpu.memory_space<vmem>>, vector<16xi32>,
        %get3A_918 = arith.index_cast %add3A_905 : i32 to index
        %get3A_919 = tpu.vector_load %arg7[%get3A_918] {strides = array<i32>} : memref<20000xi32, #tpu.memory_space<vmem>>, vector<16xi32>,
        %get3A_920 = vector.shape_cast %get3A_919 : vector<16xi32> to vector<16xi32>
        %swap3A_921 = arith.constant 96 : index
        %swap3A_922 = tpu.vector_load %arg15[%swap3A_921] {strides = array<i32>} : memref<128xi32, #tpu.memory_space<vmem>>, vector<16xi32>,
        %swap3A_923 = vector.shape_cast %swap3A_922 : vector<16xi32> to vector<16xi32>
        %swap3A_924 = vector.shape_cast %get3A_920 : vector<16xi32> to vector<16xi32>
        tpu.vector_store %arg15[%swap3A_921], %swap3A_924 {strides = array<i32>} : memref<128xi32, #tpu.memory_space<vmem>>, vector<16xi32>,
        %mul3A_925 = arith.constant 128 : i32
        %mul3A_926 = arith.muli %add3A_758, %mul3A_925 : i32
        %add3A_927 = arith.constant 112 : i32
        %add3A_928 = arith.addi %mul3A_926, %add3A_927 : i32
        %get3A_929 = arith.index_cast %add3A_928 : i32 to index
        %get3A_930 = tpu.vector_load %arg6[%get3A_929] {strides = array<i32>} : memref<20000xi32, #tpu.memory_space<vmem>>, vector<16xi32>,
        %get3A_931 = vector.shape_cast %get3A_930 : vector<16xi32> to vector<16xi32>
        %mul3A_932 = arith.constant 2 : i32
        %mul3A_933 = vector.broadcast %mul3A_932 : i32 to vector<16xi32>
        %mul3A_934 = arith.muli %get3A_931, %mul3A_933 : vector<16xi32>
        %add3A_935 = vector.broadcast %arg0 : i32 to vector<16xi32>
        %add3A_936 = arith.addi %mul3A_934, %add3A_935 : vector<16xi32>
        %swap3A_937 = arith.constant 112 : index
        %swap3A_938 = tpu.vector_load %arg11[%swap3A_937] {strides = array<i32>} : memref<128xi32, #tpu.memory_space<vmem>>, vector<16xi32>,
        %swap3A_939 = vector.shape_cast %swap3A_938 : vector<16xi32> to vector<16xi32>
        %swap3A_940 = vector.shape_cast %add3A_936 : vector<16xi32> to vector<16xi32>
        tpu.vector_store %arg11[%swap3A_937], %swap3A_940 {strides = array<i32>} : memref<128xi32, #tpu.memory_space<vmem>>, vector<16xi32>,
        %get3A_941 = arith.index_cast %add3A_928 : i32 to index
        %get3A_942 = tpu.vector_load %arg7[%get3A_941] {strides = array<i32>} : memref<20000xi32, #tpu.memory_space<vmem>>, vector<16xi32>,
        %get3A_943 = vector.shape_cast %get3A_942 : vector<16xi32> to vector<16xi32>
        %swap3A_944 = arith.constant 112 : index
        %swap3A_945 = tpu.vector_load %arg15[%swap3A_944] {strides = array<i32>} : memref<128xi32, #tpu.memory_space<vmem>>, vector<16xi32>,
        %swap3A_946 = vector.shape_cast %swap3A_945 : vector<16xi32> to vector<16xi32>
        %swap3A_947 = vector.shape_cast %get3A_943 : vector<16xi32> to vector<16xi32>
        tpu.vector_store %arg15[%swap3A_944], %swap3A_947 {strides = array<i32>} : memref<128xi32, #tpu.memory_space<vmem>>, vector<16xi32>,
        %dma_start3A_948 = arith.constant 0 : i32
        %dma_start3A_949 = arith.constant 0 : i32
        %dma_start3A_950 = tpu.memref_slice %arg2[%dma_start3A_948, %dma_start3A_949] : memref<20000x64xf32, #tpu.memory_space<hbm>> -> memref<20000x64xf32, #tpu.memory_space<hbm>>
        tpu.enqueue_indirect_dma source(%dma_start3A_950 : memref<20000x64xf32, #tpu.memory_space<hbm>>) target(%arg19 : memref<128x64xf32, #tpu.memory_space<vmem>>) offsets(%arg11 : memref<128xi32, #tpu.memory_space<vmem>>) semaphore(%arg28 : memref<!tpu.dma_semaphore, #tpu.memory_space<semaphore_mem>>)
      } else {
      }
    }
    %scan3A_635 = arith.constant 39 : i32
    %get3A_636 = arith.constant 19968 : index
    %get3A_637 = tpu.vector_load %arg6[%get3A_636] {strides = array<i32>} : memref<20000xi32, #tpu.memory_space<vmem>>, vector<16xi32>,
    %get3A_638 = vector.shape_cast %get3A_637 : vector<16xi32> to vector<16xi32>
    %mul3A_639 = arith.constant 2 : i32
    %mul3A_640 = vector.broadcast %mul3A_639 : i32 to vector<16xi32>
    %mul3A_641 = arith.muli %get3A_638, %mul3A_640 : vector<16xi32>
    %add3A_642 = vector.broadcast %arg0 : i32 to vector<16xi32>
    %add3A_643 = arith.addi %mul3A_641, %add3A_642 : vector<16xi32>
    %swap3A_644 = arith.constant 0 : index
    %swap3A_645 = tpu.vector_load %arg20[%swap3A_644] {strides = array<i32>} : memref<32xi32, #tpu.memory_space<vmem>>, vector<16xi32>,
    %swap3A_646 = vector.shape_cast %swap3A_645 : vector<16xi32> to vector<16xi32>
    %swap3A_647 = vector.shape_cast %add3A_643 : vector<16xi32> to vector<16xi32>
    tpu.vector_store %arg20[%swap3A_644], %swap3A_647 {strides = array<i32>} : memref<32xi32, #tpu.memory_space<vmem>>, vector<16xi32>,
    %get3A_648 = arith.constant 19968 : index
    %get3A_649 = tpu.vector_load %arg7[%get3A_648] {strides = array<i32>} : memref<20000xi32, #tpu.memory_space<vmem>>, vector<16xi32>,
    %get3A_650 = vector.shape_cast %get3A_649 : vector<16xi32> to vector<16xi32>
    %swap3A_651 = arith.constant 0 : index
    %swap3A_652 = tpu.vector_load %arg21[%swap3A_651] {strides = array<i32>} : memref<32xi32, #tpu.memory_space<vmem>>, vector<16xi32>,
    %swap3A_653 = vector.shape_cast %swap3A_652 : vector<16xi32> to vector<16xi32>
    %swap3A_654 = vector.shape_cast %get3A_650 : vector<16xi32> to vector<16xi32>
    tpu.vector_store %arg21[%swap3A_651], %swap3A_654 {strides = array<i32>} : memref<32xi32, #tpu.memory_space<vmem>>, vector<16xi32>,
    %get3A_655 = arith.constant 19984 : index
    %get3A_656 = tpu.vector_load %arg6[%get3A_655] {strides = array<i32>} : memref<20000xi32, #tpu.memory_space<vmem>>, vector<16xi32>,
    %get3A_657 = vector.shape_cast %get3A_656 : vector<16xi32> to vector<16xi32>
    %mul3A_658 = arith.constant 2 : i32
    %mul3A_659 = vector.broadcast %mul3A_658 : i32 to vector<16xi32>
    %mul3A_660 = arith.muli %get3A_657, %mul3A_659 : vector<16xi32>
    %add3A_661 = vector.broadcast %arg0 : i32 to vector<16xi32>
    %add3A_662 = arith.addi %mul3A_660, %add3A_661 : vector<16xi32>
    %swap3A_663 = arith.constant 16 : index
    %swap3A_664 = tpu.vector_load %arg20[%swap3A_663] {strides = array<i32>} : memref<32xi32, #tpu.memory_space<vmem>>, vector<16xi32>,
    %swap3A_665 = vector.shape_cast %swap3A_664 : vector<16xi32> to vector<16xi32>
    %swap3A_666 = vector.shape_cast %add3A_662 : vector<16xi32> to vector<16xi32>
    tpu.vector_store %arg20[%swap3A_663], %swap3A_666 {strides = array<i32>} : memref<32xi32, #tpu.memory_space<vmem>>, vector<16xi32>,
    %get3A_667 = arith.constant 19984 : index
    %get3A_668 = tpu.vector_load %arg7[%get3A_667] {strides = array<i32>} : memref<20000xi32, #tpu.memory_space<vmem>>, vector<16xi32>,
    %get3A_669 = vector.shape_cast %get3A_668 : vector<16xi32> to vector<16xi32>
    %swap3A_670 = arith.constant 16 : index
    %swap3A_671 = tpu.vector_load %arg21[%swap3A_670] {strides = array<i32>} : memref<32xi32, #tpu.memory_space<vmem>>, vector<16xi32>,
    %swap3A_672 = vector.shape_cast %swap3A_671 : vector<16xi32> to vector<16xi32>
    %swap3A_673 = vector.shape_cast %get3A_669 : vector<16xi32> to vector<16xi32>
    tpu.vector_store %arg21[%swap3A_670], %swap3A_673 {strides = array<i32>} : memref<32xi32, #tpu.memory_space<vmem>>, vector<16xi32>,
    %dma_start3A_674 = arith.constant 0 : i32
    %dma_start3A_675 = arith.constant 0 : i32
    %dma_start3A_676 = tpu.memref_slice %arg2[%dma_start3A_674, %dma_start3A_675] : memref<20000x64xf32, #tpu.memory_space<hbm>> -> memref<20000x64xf32, #tpu.memory_space<hbm>>
    tpu.enqueue_indirect_dma source(%dma_start3A_676 : memref<20000x64xf32, #tpu.memory_space<hbm>>) target(%arg22 : memref<32x64xf32, #tpu.memory_space<vmem>>) offsets(%arg20 : memref<32xi32, #tpu.memory_space<vmem>>) semaphore(%arg25 : memref<!tpu.dma_semaphore, #tpu.memory_space<semaphore_mem>>)
    %dma_wait3A = arith.constant 0 : i32
    %dma_wait3A_677 = arith.constant 0 : i32
    %dma_wait3A_678 = tpu.memref_slice %arg2[%dma_wait3A, %dma_wait3A_677] : memref<20000x64xf32, #tpu.memory_space<hbm>> -> memref<20000x64xf32, #tpu.memory_space<hbm>>
    tpu.wait_indirect_dma semaphore(%arg25 : memref<!tpu.dma_semaphore, #tpu.memory_space<semaphore_mem>>) src(%dma_wait3A_678 : memref<20000x64xf32, #tpu.memory_space<hbm>>) dst(%arg22 : memref<32x64xf32, #tpu.memory_space<vmem>>)
    "tpu.region"() ({
      %run_scoped3A = tpu.sem_alloc : memref<!tpu.dma_semaphore, #tpu.memory_space<semaphore_mem>>
      %dma_start3A_686 = arith.constant 0 : i32
      %dma_start3A_687 = arith.constant 0 : i32
      %dma_start3A_688 = tpu.memref_slice %arg24[%dma_start3A_686, %dma_start3A_687] : memref<10000x64xf32, #tpu.memory_space<vmem_shared>> -> memref<10000x64xf32, #tpu.memory_space<vmem_shared>>
      tpu.enqueue_indirect_dma source(%arg22 : memref<32x64xf32, #tpu.memory_space<vmem>>) target(%dma_start3A_688 : memref<10000x64xf32, #tpu.memory_space<vmem_shared>>) offsets(%arg21 : memref<32xi32, #tpu.memory_space<vmem>>) semaphore(%run_scoped3A : memref<!tpu.dma_semaphore, #tpu.memory_space<semaphore_mem>>) {add = true}
      %dma_wait3A_689 = arith.constant 0 : i32
      %dma_wait3A_690 = arith.constant 0 : i32
      %dma_wait3A_691 = tpu.memref_slice %arg24[%dma_wait3A_689, %dma_wait3A_690] : memref<10000x64xf32, #tpu.memory_space<vmem_shared>> -> memref<10000x64xf32, #tpu.memory_space<vmem_shared>>
      tpu.wait_indirect_dma semaphore(%run_scoped3A : memref<!tpu.dma_semaphore, #tpu.memory_space<semaphore_mem>>) src(%arg22 : memref<32x64xf32, #tpu.memory_space<vmem>>) dst(%dma_wait3A_691 : memref<10000x64xf32, #tpu.memory_space<vmem_shared>>)
      tpu.yield
    }) : () -> ()
    %barrier3A_679 = arith.constant 0 : index
    tpu.barrier barrier_id(%barrier3A_679)
    %scan3A_680 = arith.constant 0 : i32
    %scan3A_681 = arith.constant 0 : i32
    %scan3A_682 = arith.constant 8 : i32
    %scan3A_683 = arith.addi %scan3A_681, %scan3A_682 : i32
    %scan3A_684 = arith.constant 1 : i32
    scf.for %scan3A_686 = %scan3A_681 to %scan3A_683 step %scan3A_684  : i32 {
      %mul3A_687 = arith.constant 16 : i32
      %mul3A_688 = arith.muli %scan3A_686, %mul3A_687 : i32
      %add3A_689 = arith.addi %arg1, %mul3A_688 : i32
      %lt3A = arith.constant 125 : i32
      %lt3A_690 = arith.cmpi slt, %add3A_689, %lt3A : i32
      %convert_element_type3A = arith.extui %lt3A_690 : i1 to i32
      %cond3A = arith.constant 0 : i32
      %cond3A_691 = arith.cmpi ne, %convert_element_type3A, %cond3A : i32
      scf.if %cond3A_691 {
        %mul3A_692 = arith.constant 80 : i32
        %mul3A_693 = arith.muli %add3A_689, %mul3A_692 : i32
        %mul3A_694 = arith.constant 80 : i32
        %mul3A_695 = arith.muli %add3A_689, %mul3A_694 : i32
        %mul3A_696 = arith.constant 64 : i32
        %mul3A_697 = arith.muli %arg0, %mul3A_696 : i32
        "tpu.region"() ({
          %run_scoped3A = tpu.sem_alloc : memref<!tpu.dma_semaphore, #tpu.memory_space<semaphore_mem>>
          %dma_start3A_698 = tpu.memref_slice %arg5[%mul3A_695, %mul3A_697] : memref<10000x128xf32, #tpu.memory_space<hbm>> -> memref<80x64xf32, #tpu.memory_space<hbm>>
          %dma_start3A_699 = arith.constant 0 : i32
          %dma_start3A_700 = tpu.memref_slice %arg24[%mul3A_693, %dma_start3A_699] : memref<10000x64xf32, #tpu.memory_space<vmem_shared>> -> memref<80x64xf32, #tpu.memory_space<vmem_shared>>
          tpu.enqueue_dma source(%dma_start3A_700 : memref<80x64xf32, #tpu.memory_space<vmem_shared>>) target(%dma_start3A_698 : memref<80x64xf32, #tpu.memory_space<hbm>>) target_semaphore(%run_scoped3A : memref<!tpu.dma_semaphore, #tpu.memory_space<semaphore_mem>>)
          %dma_wait3A_701 = tpu.memref_slice %arg5[%mul3A_695, %mul3A_697] : memref<10000x128xf32, #tpu.memory_space<hbm>> -> memref<80x64xf32, #tpu.memory_space<hbm>>
          %dma_wait3A_702 = arith.constant 0 : i32
          %dma_wait3A_703 = tpu.memref_slice %arg24[%mul3A_693, %dma_wait3A_702] : memref<10000x64xf32, #tpu.memory_space<vmem_shared>> -> memref<80x64xf32, #tpu.memory_space<vmem_shared>>
          tpu.wait_dma2 semaphore(%run_scoped3A : memref<!tpu.dma_semaphore, #tpu.memory_space<semaphore_mem>>) src(%dma_wait3A_703 : memref<80x64xf32, #tpu.memory_space<vmem_shared>>) dst(%dma_wait3A_701 : memref<80x64xf32, #tpu.memory_space<hbm>>)
          tpu.yield
        }) : () -> ()
      } else {
      }
    }
    %scan3A_685 = arith.constant 8 : i32
    return
  }
}

module attributes {stable_mosaic.version = 14 : i64} {
  func.func @_bn_body(%arg0: memref<10000x128xf32, #tpu.memory_space<vmem>>, %arg1: memref<1x128xf32, #tpu.memory_space<vmem>>, %arg2: memref<1x128xf32, #tpu.memory_space<vmem>>, %arg3: memref<10000x128xf32, #tpu.memory_space<vmem>>) attributes {dimension_semantics = [], scalar_prefetch = 0 : i64, scratch_operands = 0 : i64, tpu.core_type = #tpu.core_type<tc>} {
    %get3A = arith.constant 0 : index
    %get3A_0 = arith.constant 0 : index
    %get3A_1 = vector.load %arg0[%get3A, %get3A_0] : memref<10000x128xf32, #tpu.memory_space<vmem>>, vector<10000x128xf32>
    %reduce_sum3A = arith.constant dense<0.000000e+00> : vector<128xf32>
    %reduce_sum3A_2 = vector.multi_reduction <add>, %get3A_1, %reduce_sum3A [0] : vector<10000x128xf32> to vector<128xf32>
    %broadcast_in_dim3A = vector.shape_cast %reduce_sum3A_2 : vector<128xf32> to vector<1x128xf32>
    %div3A = arith.constant 1.000000e+04 : f32
    %div3A_3 = vector.broadcast %div3A : f32 to vector<1x128xf32>
    %div3A_4 = arith.divf %broadcast_in_dim3A, %div3A_3 : vector<1x128xf32>
    %sub3A = vector.broadcast %div3A_4 : vector<1x128xf32> to vector<10000x128xf32>
    %sub3A_5 = arith.subf %get3A_1, %sub3A : vector<10000x128xf32>
    %mul3A = arith.mulf %sub3A_5, %sub3A_5 : vector<10000x128xf32>
    %reduce_sum3A_6 = arith.constant dense<0.000000e+00> : vector<128xf32>
    %reduce_sum3A_7 = vector.multi_reduction <add>, %mul3A, %reduce_sum3A_6 [0] : vector<10000x128xf32> to vector<128xf32>
    %broadcast_in_dim3A_8 = vector.shape_cast %reduce_sum3A_7 : vector<128xf32> to vector<1x128xf32>
    %div3A_9 = arith.constant 1.000000e+04 : f32
    %div3A_10 = vector.broadcast %div3A_9 : f32 to vector<1x128xf32>
    %div3A_11 = arith.divf %broadcast_in_dim3A_8, %div3A_10 : vector<1x128xf32>
    %add3A = arith.constant 9.99999974E-6 : f32
    %add3A_12 = vector.broadcast %add3A : f32 to vector<1x128xf32>
    %add3A_13 = arith.addf %div3A_11, %add3A_12 : vector<1x128xf32>
    %rsqrt3A = math.rsqrt %add3A_13 : vector<1x128xf32>
    %mul3A_14 = vector.broadcast %rsqrt3A : vector<1x128xf32> to vector<10000x128xf32>
    %mul3A_15 = arith.mulf %sub3A_5, %mul3A_14 : vector<10000x128xf32>
    %get3A_16 = arith.constant 0 : index
    %get3A_17 = arith.constant 0 : index
    %get3A_18 = vector.load %arg1[%get3A_16, %get3A_17] : memref<1x128xf32, #tpu.memory_space<vmem>>, vector<1x128xf32>
    %mul3A_19 = vector.broadcast %get3A_18 : vector<1x128xf32> to vector<10000x128xf32>
    %mul3A_20 = arith.mulf %mul3A_15, %mul3A_19 : vector<10000x128xf32>
    %get3A_21 = arith.constant 0 : index
    %get3A_22 = arith.constant 0 : index
    %get3A_23 = vector.load %arg2[%get3A_21, %get3A_22] : memref<1x128xf32, #tpu.memory_space<vmem>>, vector<1x128xf32>
    %add3A_24 = vector.broadcast %get3A_23 : vector<1x128xf32> to vector<10000x128xf32>
    %add3A_25 = arith.addf %mul3A_20, %add3A_24 : vector<10000x128xf32>
    %swap3A = arith.constant 0 : index
    %swap3A_26 = arith.constant 0 : index
    %swap3A_27 = vector.load %arg3[%swap3A, %swap3A_26] : memref<10000x128xf32, #tpu.memory_space<vmem>>, vector<10000x128xf32>
    tpu.vector_store %arg3[%swap3A, %swap3A_26], %add3A_25 {strides = array<i32>} : memref<10000x128xf32, #tpu.memory_space<vmem>>, vector<10000x128xf32>,
    return
  }
}

</mosaic_0001>

<sc_bundles>
// kernel: kernel.4.cloned.1.call-start
scs
__scs_entry_jumppad:
0x0: {  	(pc) =	sbr.rel $0x88, $3  }
0x1: {  	(tag) =	ssettag $0x0;
	lr =	simm.s32 $0x1  }
0x2: {  	[smem:$0x3F9D] =	sst lr;
	_ =	strace $0xD0000000  }
0x3: {  	_ = 	snop  }
0x4: {  	_ = 	snop  }
0x5: {  	_ = 	snop  }
0x6: {  	_ = 	snop  }
0x7: {  	_ = 	snop  }
__scs_overlays_trampoline_lowered:
0x8: {  	[smem:$0x3FAC] =	sst s0  }
0x9: {  	[smem:$0x3FAD] =	sst s1  }
0xa: {  	[smem:$0x3FAE] =	sst s2  }
0xb: {  	[smem:$0x3FAF] =	sst s3  }
0xc: {  	[smem:$0x3FB0] =	sst s4  }
0xd: {  	[smem:$0x3FB1] =	sst s5  }
0xe: {  	[smem:$0x3FB2] =	sst s6  }
0xf: {  	[smem:$0x3FB3] =	sst s7  }
0x10: {  	[smem:$0x3FB4] =	sst s8  }
0x11: {  	[smem:$0x3FB5] =	sst s9;
	s0 =	simm.s32 @!p0 $0x0  }
0x12: {  	s1 =	sld [smem:$0x3F9B];
	s0 =	simm.s32 @p0 $0x1  }
0x13: {  	[smem:$0x3FB6] =	sst s0;
	s0 =	simm.s32 @!p1 $0x0  }
0x14: {  	s2 =	sld [smem:$0x3F9A];
	s0 =	simm.s32 @p1 $0x1  }
0x15: {  	[smem:$0x3FB7] =	sst s0;
	s0 =	simm.s32 @!p2 $0x0  }
0x16: {  	s3 =	sld [smem:$0x3FDB];
	s0 =	simm.s32 @p2 $0x1  }
0x17: {  	s4 =	simm.s32 $0x1BF5;
	[smem:$0x3FB9] =	sst s0  }
0x18: {  	s0 =	sld [smem:$0x3F9C];
	_ =	swait.ge [sflag:s4], $0x0  }
0x19: {  	s7 =	sld [smem:$0x3F9D]  }
0x1a: {  	s8 =	sadd.s32 $0xFFFFE003, lr  }
0x1b: {  	s9 =	sadd.s32 $0xFFFFFEF7, lr;
	s5 =	simm.s32 $0xFFFFFFFF;
	p2 =	slt.u32 s8, $0xFFFFF086  }
0x1c: {  	p1 =	slt.u32 s9, $0xF7A;
	s5 =	simm.s32 @!p2 $0x0  }
0x1d: {  	s5 =	simm.s32 @p1 $0x1;
	p0 =	seq.s32 s7, s2  }
0x1e: {  	s7 =	smul.u32 @!p0 $0xF7A, s2;
	p2 =	seq.s32 @!p0 s5, $0x0  }
0x1f: {  	s9 =	smul.u32 $0xF7A, s1;
	s8 =	simm.s32 @!p0 $0x1BF5;
	p2 =	por !p2, p0  }
0x20: {  	[sflag:s8] =	ssyncset.s32 @!p0 $0xFFFFF086;
	s6 =	sadd.s32 @!p0 s3, s7;
	s7 =	simm.s32 @!p0 $0x108  }
0x21: {  	s3 =	sadd.s32 s3, s9;
	s6 =	sadd.s32 @!p0 $0x88, s6;
	s7 =	simm.s32 @p2 $0x1082  }
0x22: {  	[simem:s7], [sflag:s8] =	dma.local @!p0 [hbm:s6], $0xF7A  }
0x23: {  	s9 =	sor.u32 $0xD0000000, s2;
	s6 =	simm.s32 $0x108;
	_ =	swait.ge @!p0 [sflag:s8], $0x0  }
0x24: {  	s3 =	sadd.s32 $0x88, s3;
	s6 =	simm.s32 @!p1 $0x1082;
	[sflag:s4] =	ssyncset.s32 $0xFFFFF086  }
0x25: {  	[simem:s6], [sflag:s4] =	dma.local [hbm:s3], $0xF7A  }
0x26: {  	[smem:$0x3F9D] =	sst s1;
	(tag) =	ssettag s2;
	_ =	strace s9  }
0x27: {  	s1 =	sld [smem:$0x3FAD]  }
0x28: {  	s2 =	sld [smem:$0x3FAE]  }
0x29: {  	s4 =	sld [smem:$0x3FB0]  }
0x2a: {  	p0 =	seq.s32 s5, $0x0;
	s5 =	sld [smem:$0x3FB1]  }
0x2b: {  	s6 =	sld [smem:$0x3FB2]  }
0x2c: {  	s7 =	sld [smem:$0x3FB3]  }
0x2d: {  	s3 =	simm.s32 $0x108;
	s8 =	sld [smem:$0x3FB4]  }
0x2e: {  	s3 =	simm.s32 @!p0 $0x1082;
	s9 =	sld [smem:$0x3FB5]  }
0x2f: {  	lr =	sadd.s32 s0, s3;
	s0 =	sld [smem:$0x3FAC]  }
0x30: {  	s3 =	sld [smem:$0x3FAF]  }
0x31: {  	[smem:$0x3FB8] =	sst s10  }
0x32: {  	s10 =	sld [smem:$0x3FB6];
	_ =	sdelay $0x3  }
0x33: {  	p0 =	seq.s32 s10, $0x1;
	s10 =	sld [smem:$0x3FB8];
	_ =	sdelay $0x3  }
0x34: {  	[smem:$0x3FB8] =	sst s10  }
0x35: {  	s10 =	sld [smem:$0x3FB7];
	_ =	sdelay $0x3  }
0x36: {  	p1 =	seq.s32 s10, $0x1;
	s10 =	sld [smem:$0x3FB8];
	_ =	sdelay $0x3  }
0x37: {  	[smem:$0x3FB8] =	sst s10  }
0x38: {  	s10 =	sld [smem:$0x3FB9]  }
0x39: {  	_ = 	snop;
	(pc) =	sbr.ind lr, $3  }
0x3a: {  	_ = 	snop  }
0x3b: {  	_ = 	snop  }
0x3c: {  	p2 =	seq.s32 s10, $0x1;
	s10 =	sld [smem:$0x3FB8]  }
0x3d: {  	_ =	shalt  }
0x3e: {  	_ =	shalt  }
0x3f: {  	_ =	shalt  }
0x40: {  	_ =	shalt  }
0x41: {  	_ =	shalt  }
0x42: {  	_ =	shalt  }
0x43: {  	_ =	shalt  }
0x44: {  	_ =	shalt  }
0x45: {  	_ =	shalt  }
0x46: {  	_ =	shalt  }
0x47: {  	_ =	shalt  }
0x48: {  	_ =	shalt  }
0x49: {  	_ =	shalt  }
0x4a: {  	_ =	shalt  }
0x4b: {  	_ =	shalt  }
0x4c: {  	_ =	shalt  }
0x4d: {  	_ =	shalt  }
0x4e: {  	_ =	shalt  }
0x4f: {  	_ =	shalt  }
0x50: {  	_ =	shalt  }
0x51: {  	_ =	shalt  }
0x52: {  	_ =	shalt  }
0x53: {  	_ =	shalt  }
0x54: {  	_ =	shalt  }
0x55: {  	_ =	shalt  }
0x56: {  	_ =	shalt  }
0x57: {  	_ =	shalt  }
0x58: {  	_ =	shalt  }
0x59: {  	_ =	shalt  }
0x5a: {  	_ =	shalt  }
0x5b: {  	_ =	shalt  }
0x5c: {  	_ =	shalt  }
0x5d: {  	_ =	shalt  }
0x5e: {  	_ =	shalt  }
0x5f: {  	_ =	shalt  }
0x60: {  	_ =	shalt  }
0x61: {  	_ =	shalt  }
0x62: {  	_ =	shalt  }
0x63: {  	_ =	shalt  }
0x64: {  	_ =	shalt  }
0x65: {  	_ =	shalt  }
0x66: {  	_ =	shalt  }
0x67: {  	_ =	shalt  }
0x68: {  	_ =	shalt  }
0x69: {  	_ =	shalt  }
0x6a: {  	_ =	shalt  }
0x6b: {  	_ =	shalt  }
0x6c: {  	_ =	shalt  }
0x6d: {  	_ =	shalt  }
0x6e: {  	_ =	shalt  }
0x6f: {  	_ =	shalt  }
0x70: {  	_ =	shalt  }
0x71: {  	_ =	shalt  }
0x72: {  	_ =	shalt  }
0x73: {  	_ =	shalt  }
0x74: {  	_ =	shalt  }
0x75: {  	_ =	shalt  }
0x76: {  	_ =	shalt  }
0x77: {  	_ =	shalt  }
0x78: {  	_ =	shalt  }
0x79: {  	_ =	shalt  }
0x7a: {  	_ =	shalt  }
0x7b: {  	_ =	shalt  }
0x7c: {  	_ =	shalt  }
0x7d: {  	_ =	shalt  }
0x7e: {  	_ =	shalt  }
0x7f: {  	_ =	shalt  }
0x80: {  	_ =	shalt  }
0x81: {  	_ =	shalt  }
0x82: {  	_ =	shalt  }
0x83: {  	_ =	shalt  }
0x84: {  	_ =	shalt  }
0x85: {  	_ =	shalt  }
0x86: {  	_ =	shalt  }
0x87: {  	_ =	shalt  }
.Lfunc_end0:
.L_simem_size_0:
called_computation_lowered:
.L_overlay_start_0:
0x88: {  	s2 =	sld [smem:$0x3FD9]  }
0x89: {  	s3 =	sld [smem:$0x3FFE];
	_ =	sdelay $0x1  }
0x8a: {  	s1 =	srdreg.scid  }
0x8b: {  	s0 =	sand.u32 $0x1, s1  }
0x8c: {  	s17 =	sshll.u32 s0, $0xA;
	s2 =	sadd.s32 s3, s2  }
0x8d: {  	s2 =	sadd.s32 s2, s17  }
0x8e: {  	[smem:$0x3FC4] =	sst s2  }
0x8f: {  	_ = 	snop  }
0x90: {  	s2 =	sld [smem:$0x3FC9]  }
0x91: {  	s18 =	sld [smem:$0x3FD0];
	(tm) =	ssettm $0x1  }
0x92: {  	s4 =	sld [smem:$0x3FFB];
	_ =	sdelay $0x3  }
0x93: {  	_ =	strace s4  }
0x94: {  	s4 =	sld [smem:$0x3FFC];
	_ =	sdelay $0x3  }
0x95: {  	_ =	strace s4  }
0x96: {  	s4 =	sld [smem:$0x3FFD];
	_ =	sdelay $0x3  }
0x97: {  	_ =	strace s4  }
0x98: {  	_ =	strace $0x8FFFFFFF  }
0x99: {  	s19 =	sld [smem:$0x3FDB];
	_ =	sdelay $0x1  }
0x9a: {  	s5 =	simm.s32 $_scs_section_size  }
0x9b: {  	s6 =	simm.s32 $_size__tile_overlayer_lowered;
	s7 =	simm.s32 $_tile_overlayer_lowered  }
0x9c: {  	s22 =	simm.s32 $0x1BFF;
	s21 =	sshll.u32 s7, $0x1;
	s4 =	sadd.s32 s5, s19  }
0x9d: {  	s8 =	simm.s32 $0x0;
	s20 =	sshll.u32 s6, $0x1;
	s6 =	sadd.s32 s21, s4  }
0x9e: {  	[timem:s8], [sflag:s22] =	dma.local [hbm:s6], s20  }
0x9f: {  	_ =	swait.ge [sflag:s22], s20  }
0xa0: {  	s5 =	ssub.s32 $0x0, s20;
	[sflag:s22] =	ssyncset.done $0x0  }
0xa1: {  	[sflag:s22] =	ssyncadd.s32 s5;
	_ =	sdelay $0x1  }
0xa2: {  	s23 =	simm.s32 $0x1B8B  }
0xa3: {  	_ =	swait.ge [sflag:s23], $0x1  }
0xa4: {  	[sflag:s23] =	ssyncset.done $0x0  }
0xa5: {  	s25 =	simm.s32 $0x1B8E;
	s24 =	sld [smem:$0x3FFE];
	[sflag:s23] =	ssyncadd.s32 $0xFFFFFFFF  }
0xa6: {  	s26 =	simm.s32 $execute0_lowered;
	[smem:$0x3FD2] =	sst s25  }
0xa7: {  	s6 =	sshll.u32 s26, $0x1;
	_ =	strace $0x80000046;
	[dreg:$0x1] =	wrdreg $0xFFFFFFFF  }
0xa8: {  	s28 =	simm.s32 $_size_execute0_lowered;
	s4 =	sadd.s32 s4, s6;
	[dreg:$0x0] =	wrdreg $0x0  }
0xa9: {  	s6 =	sshll.u32 s28, $0x1;
	[dreg:$0x2] =	wrdreg s4  }
0xaa: {  	[dreg:$0x3] =	wrdreg s6  }
0xab: {  	[dreg:$0x4] =	wrdreg $0xC0  }
0xac: {  	_ =	task [dreg:s8], $0x5FFFF  }
0xad: {  	[dreg:$0x1] =	wrdreg $0xFFFFFFFF  }
0xae: {  	[dreg:$0x0] =	wrdreg $0x60  }
0xaf: {  	[dreg:$0x2] =	wrdreg s2  }
0xb0: {  	[dreg:$0x3] =	wrdreg s24  }
0xb1: {  	[dreg:$0x4] =	wrdreg s18  }
0xb2: {  	[dreg:$0x5] =	wrdreg $0x13C800  }
0xb3: {  	[dreg:$0x6] =	wrdreg $0x9  }
0xb4: {  	_ =	task.clear_ibuf [dreg:s8], $0x7FFFF;
	_ =	strace $0x90000046  }
0xb5: {  	s29 =	simm.s32 $0x9;
	_ =	strace $0x80000048  }
0xb6: {  	_ =	swait.ge [sflag:s29], $0x1  }
0xb7: {  	[sflag:s29] =	ssyncadd.s32 $0xFFFFFFFF  }
0xb8: {  	_ =	strace $0x90000048  }
0xb9: {  	_ =	sfence  }
0xba: {  	s30 =	sld [smem:$0x0];
	_ =	sdelay $0x2  }
0xbb: {  	s31 =	sshll.u32 s1, $0xD;
	s1 =	sshrl.u32 s1, $0x2  }
0xbc: {  	s3 =	sand.u32 $0x4000, s31;
	s1 =	sadd.s32 s1, s30  }
0xbd: {  	s0 =	sor.u32 s3, s0;
	s1 =	sshll.u32 s1, $0x11  }
0xbe: {  	s0 =	sor.u32 s1, s0  }
0xbf: {  	s0 =	sadd.s32 $0x8F2B, s0  }
0xc0: {  	[sflag:s0] =	ssyncadd.remote.s32 $0x1  }
0xc1: {  	_ =	sfence.sel $0xFFFF  }
0xc2: {  	[dreg:$0x0] =	wrdreg $0xFFFFFFFF;
	(pc) =	sbr.abs _section_cstart, $3  }
0xc3: {  	[dreg:$0x1] =	wrdreg $0xFFFFFFFF  }
0xc4: {  	_ =	task.clear_ibuf [dreg:s8], $0x2FFFF;
	_ =	strace $0x9FFFFFFF  }
0xc5: {  	(tm) =	ssettm $0x7FFFFFFF  }
tec
execute0_lowered:
.L_overlay_start_1:
0x0: {  	(tag) =	ssettag $0x1  }
0x1: {  	s20 =	stileid.u32  }
0x2: {  	s4 =	smul.u32 $0x9C4, s20  }
0x3: {  	s2 =	rddreg [dreg:$0x0];
	s5 =	smul.u32 $0x5000, s20  }
0x4: {  	s7 =	simm.s32 $0x0;
	s6 =	sor.u32 $0x10, s20;
	s24 =	smul.u32 $0x2800, s20  }
0x5: {  	[smem:$0x7FF] =	sst s7;
	s7 =	smul.u32 $0x5000, s6  }
0x6: {  	s1 =	rddreg [dreg:$0x1];
	s9 =	sor.u32 $0x20, s20;
	s6 =	smul.u32 $0x2800, s6  }
0x7: {  	s0 =	rddreg [dreg:$0x2];
	s25 =	sor.u32 $0x30, s20;
	s11 =	smul.u32 $0x2800, s9  }
0x8: {  	s3 =	rddreg [dreg:$0x3];
	s13 =	sor.u32 $0x40, s20;
	s14 =	smul.u32 $0x2800, s25  }
0x9: {  	s8 =	srdreg.scid;
	s16 =	sor.u32 $0x50, s20;
	s17 =	smul.u32 $0x2800, s13  }
0xa: {  	s28 =	simm.s32 $0x80;
	s29 =	simm.s32 $0x9C40;
	s18 =	smul.u32 $0x2800, s16  }
0xb: {  	s30 =	simm.s32 $0xA040;
	s31 =	simm.s32 $0x9CC0;
	s23 =	smul.u32 $0x5000, s9  }
0xc: {  	s10 =	sand.u32 $0x1, s8;
	_ =	strace $0x80000047;
	s8 =	smul.u32 $0x5000, s25  }
0xd: {  	s12 =	ssub.s32 $0x2, s10;
	s19 =	sshll.u32 s10, $0x6;
	s25 =	smul.u32 $0x5000, s13  }
0xe: {  	s1 =	sadd.s32 s4, s1;
	s15 =	sshrl.u32 s12, $0x1;
	s4 =	sor.u32 s19, s24  }
0xf: {  	s5 =	sshrl.u32 s5, $0x2;
	s12 =	ssub.s32 s12, s15;
	s15 =	sor.u32 $0x60, s20  }
0x10: {  	s20 =	sor.u32 $0x70, s20;
	s6 =	sor.u32 s19, s6;
	s11 =	sor.u32 s19, s11  }
0x11: {  	s14 =	sor.u32 s19, s14;
	s17 =	sor.u32 s19, s17;
	s18 =	sor.u32 s19, s18  }
0x12: {  	s26 =	sadd.s32 $0xA000, s1;
	s1 =	sadd.s32 $0x200, s1;
	s7 =	sshrl.u32 s7, $0x2  }
0x13: {  	s5 =	sadd.s32 s5, s3;
	s21 =	smul.u32 $0x2800, s15;
	[dreg:$0x5] =	wrdreg s26  }
0x14: {  	s4 =	sshrl.u32 s4, $0x3;
	s22 =	smul.u32 $0x2800, s20;
	[dreg:$0x6] =	wrdreg s1  }
0x15: {  	s24 =	smax.u32 s12, $0x1;
	s1 =	sshrl.u32 s23, $0x2;
	[dreg:$0x8] =	wrdreg s5  }
0x16: {  	s26 =	sadd.s32 s7, s3;
	s5 =	sshrl.u32 s8, $0x2;
	s8 =	smul.u32 $0x5000, s16  }
0x17: {  	s7 =	sshrl.u32 s25, $0x2;
	s9 =	smul.u32 $0x5000, s15;
	s6 =	sshrl.u32 s6, $0x3  }
0x18: {  	s4 =	sadd.s32 s0, s4;
	s13 =	sshrl.u32 s11, $0x3;
	s15 =	sshrl.u32 s14, $0x3  }
0x19: {  	s16 =	sshrl.u32 s17, $0x3;
	s18 =	sshrl.u32 s18, $0x3;
	s23 =	smul.u32 $0x5000, s20  }
0x1a: {  	p0 =	sgt.u32 s20, $0x7C;
	s11 =	simm.s32 $0x9E40;
	[dreg:$0x7] =	wrdreg s24  }
0x1b: {  	s14 =	simm.s32 $0x3;
	[dreg:$0x9] =	wrdreg s26;
	s1 =	sadd.s32 s1, s3  }
0x1c: {  	[dreg:$0xb] =	wrdreg s4;
	s12 =	sadd.s32 s0, s6;
	s4 =	sadd.s32 s0, s13  }
0x1d: {  	s17 =	sadd.s32 s0, s16;
	s24 =	sadd.s32 s7, s3;
	[dreg:$0xa] =	wrdreg s1  }
0x1e: {  	s6 =	simm.s32 $0x10040;
	s7 =	simm.s32 $0x1;
	[dreg:$0xc] =	wrdreg s12  }
0x1f: {  	s13 =	simm.s32 $0x9EC0;
	s16 =	simm.s32 $0x4;
	[dreg:$0xd] =	wrdreg s4  }
0x20: {  	s21 =	sor.u32 s19, s21;
	s19 =	sor.u32 s19, s22;
	[dreg:$0xf] =	wrdreg s17  }
0x21: {  	s4 =	sadd.s32 s0, s15;
	s1 =	sadd.s32 s5, s3;
	[dreg:$0x14] =	wrdreg s24  }
0x22: {  	s25 =	sshrl.u32 s8, $0x2;
	s26 =	sshrl.u32 s9, $0x2;
	s24 =	simm.s32 $0x9  }
0x23: {  	s5 =	simm.s32 $0x9DC0;
	s12 =	simm.s32 $0x2;
	s15 =	simm.s32 $0x9F40  }
0x24: {  	s17 =	simm.s32 $0x9FC0;
	s8 =	simm.s32 $0x7;
	s9 =	simm.s32 $0x8  }
0x25: {  	[dreg:$0xe] =	wrdreg s4;
	s4 =	sadd.s32 s0, s18;
	s21 =	sshrl.u32 s21, $0x3  }
0x26: {  	s22 =	sshrl.u32 s19, $0x3;
	[dreg:$0x13] =	wrdreg s1;
	s1 =	sadd.s32 s25, s3  }
0x27: {  	s25 =	simm.s32 $0x9D40;
	s18 =	simm.s32 $0x5;
	[dreg:$0x10] =	wrdreg s4  }
.Ltmp0:
0x28: {  	s4 =	sadd.s32 s0, s21;
	[dreg:$0x15] =	wrdreg s1;
	(pc) =	sbr.rel .LBB2_1-.Ltmp0, $4  }
0x29: {  	s19 =	simm.s32 $0x0;
	s0 =	sadd.s32 s0, s22;
	[dreg:$0x11] =	wrdreg s4  }
0x2a: {  	s1 =	sadd.s32 s26, s3;
	[dreg:$0x12] =	wrdreg s0;
	s0 =	sshrl.u32 s23, $0x2  }
0x2b: {  	[dreg:$0x16] =	wrdreg s1;
	s1 =	simm.s32 $0xE040;
	s0 =	sadd.s32 s0, s3  }
0x2c: {  	v1 =	vimm.f32 $0.0e+00;
	v0 =	vmov s10;
	s4 =	simm.s32 $0x6;
	[dreg:$0x17] =	wrdreg s0;
	s0 =	simm.s32 $0xC040  }
.LBB2_6:
0x2d: {  	_ =	swait.ge [sflag:s4], $0x2000  }
0x2e: {  	[sflag:s4] =	ssyncset.done $0x0  }
0x2f: {  	[sflag:s4] =	ssyncadd.s32 $0xFFFFE000  }
0x30: {  	_ =	swait.ge [sflag:s8], $0x2000  }
0x31: {  	[sflag:s8] =	ssyncset.done $0x0  }
0x32: {  	[sflag:s8] =	ssyncadd.s32 $0xFFFFE000  }
0x33: {  	_ =	swait.ge [sflag:s9], $0x2000  }
0x34: {  	[sflag:s9] =	ssyncset.done $0x0  }
0x35: {  	[sflag:s9] =	ssyncadd.s32 $0xFFFFE000  }
0x36: {  	v2 =	vld [tilespmem:$0x4E00]  }
0x37: {  	v4 =	vld [tilespmem:$0x9C20]  }
0x38: {  	v3 =	vld [tilespmem:$0x4E10]  }
0x39: {  	v5 =	vld [tilespmem:$0x9C30];
	_ =	sdelay $0x1  }
0x3a: {  	v2 =	vshll.u32 v2, $0x1  }
0x3b: {  	[tilespmem:$0x12060] =	vst v4;
	v2 =	vor.u32 v0, v2  }
0x3c: {  	[tilespmem:$0x12040] =	vst v2;
	v2 =	vshll.u32 v3, $0x1  }
0x3d: {  	[tilespmem:$0x12070] =	vst v5;
	v2 =	vor.u32 v0, v2  }
0x3e: {  	s10 =	simm.s32 $0x20;
	s20 =	simm.s32 $0x12040;
	s21 =	simm.s32 $0x12080;
	[tilespmem:$0x12050] =	vst v2  }
0x3f: {  	[tilespmem:s21], [sflag:$0x1] =	stream.indirect.gather [hbm4b:s2+s10], $0x40, s20, s10, $0xb8;
	[tilespmem:$0x1D8C0] =	vst v63  }
0x40: {  	_ =	swait.ge [sflag:s7], $0x800  }
0x41: {  	[sflag:s7] =	ssyncset.done $0x0  }
0x42: {  	s26 =	simm.s32 $0x12060;
	[sflag:s7] =	ssyncadd.s32 $0xFFFFF800  }
0x43: {  	[spmem:s3] =	stream.indirect.scatter.add.f32 [tilespmem:s21], [sflag:$0x9], $0x40, s26, s10, $0xb8;
	[tilespmem:$0x1D8C0] =	vst v63  }
0x44: {  	_ =	swait.ge [sflag:s24], $0x800  }
0x45: {  	[sflag:s24] =	ssyncset.done $0x0  }
0x46: {  	s22 =	stileid.u32;
	[sflag:s24] =	ssyncadd.s32 $0xFFFFF800  }
0x47: {  	s20 =	sshll.u32 s22, $0x6;
	[bflag:$0x0] =	sbarrier.arrive $0xFFFF  }
0x48: {  	s20 =	sor.u32 $0x1C09, s20;
	s23 =	rddreg [dreg:$0x8]  }
0x49: {  	s22 =	rddreg [dreg:$0xb];
	s21 =	sshrl.u32 s23, $0x3;
	s23 =	simm.s32 $0x10  }
0x4a: {  	[hbm:s22@s23], [sflag:s20] =	dma.strided [spmem:s21@s9], $0x280, s7, $0x8   }
0x4b: {  	_ =	swait.ge [sflag:s24], $0x280  }
0x4c: {  	[sflag:s24] =	ssyncset.done $0x0;
	s26 =	rddreg [dreg:$0x9]  }
0x4d: {  	s10 =	rddreg [dreg:$0xc];
	[sflag:s24] =	ssyncadd.s32 $0xFFFFFD80;
	s21 =	sshrl.u32 s26, $0x3  }
0x4e: {  	[hbm:s10@s23], [sflag:s20] =	dma.strided [spmem:s21@s9], $0x280, s7, $0x8   }
0x4f: {  	_ =	swait.ge [sflag:s24], $0x280  }
0x50: {  	[sflag:s24] =	ssyncset.done $0x0;
	s26 =	rddreg [dreg:$0xa]  }
0x51: {  	s10 =	rddreg [dreg:$0xd];
	[sflag:s24] =	ssyncadd.s32 $0xFFFFFD80;
	s21 =	sshrl.u32 s26, $0x3  }
0x52: {  	[hbm:s10@s23], [sflag:s20] =	dma.strided [spmem:s21@s9], $0x280, s7, $0x8   }
0x53: {  	_ =	swait.ge [sflag:s24], $0x280  }
0x54: {  	[sflag:s24] =	ssyncset.done $0x0;
	s22 =	rddreg [dreg:$0x13]  }
0x55: {  	s10 =	rddreg [dreg:$0xe];
	[sflag:s24] =	ssyncadd.s32 $0xFFFFFD80;
	s26 =	sshrl.u32 s22, $0x3  }
0x56: {  	[hbm:s10@s23], [sflag:s20] =	dma.strided [spmem:s26@s9], $0x280, s7, $0x8   }
0x57: {  	_ =	swait.ge [sflag:s24], $0x280  }
0x58: {  	[sflag:s24] =	ssyncset.done $0x0;
	s22 =	rddreg [dreg:$0x14]  }
0x59: {  	s10 =	rddreg [dreg:$0xf];
	[sflag:s24] =	ssyncadd.s32 $0xFFFFFD80;
	s26 =	sshrl.u32 s22, $0x3  }
0x5a: {  	[hbm:s10@s23], [sflag:s20] =	dma.strided [spmem:s26@s9], $0x280, s7, $0x8   }
0x5b: {  	_ =	swait.ge [sflag:s24], $0x280  }
0x5c: {  	[sflag:s24] =	ssyncset.done $0x0;
	s22 =	rddreg [dreg:$0x15]  }
0x5d: {  	s10 =	rddreg [dreg:$0x10];
	[sflag:s24] =	ssyncadd.s32 $0xFFFFFD80;
	s26 =	sshrl.u32 s22, $0x3  }
0x5e: {  	[hbm:s10@s23], [sflag:s20] =	dma.strided [spmem:s26@s9], $0x280, s7, $0x8   }
0x5f: {  	_ =	swait.ge [sflag:s24], $0x280  }
0x60: {  	[sflag:s24] =	ssyncset.done $0x0;
	s22 =	rddreg [dreg:$0x16]  }
0x61: {  	s10 =	rddreg [dreg:$0x11];
	[sflag:s24] =	ssyncadd.s32 $0xFFFFFD80;
	s26 =	sshrl.u32 s22, $0x3  }
0x62: {  	[hbm:s10@s23], [sflag:s20] =	dma.strided [spmem:s26@s9], $0x280, s7, $0x8   }
0x63: {  	s22 =	simm.s32 @!p0 $0x1;
	s23 =	simm.s32 @!p0 $0x10;
	_ =	swait.ge [sflag:s24], $0x280  }
0x64: {  	s26 =	simm.s32 @!p0 $0x8;
	[sflag:s24] =	ssyncset.done $0x0;
	s10 =	rddreg [dreg:$0x17]  }
0x65: {  	[sflag:s24] =	ssyncadd.s32 $0xFFFFFD80;
	s21 =	sshrl.u32 @!p0 s10, $0x3;
	s10 =	rddreg [dreg:$0x12]  }
0x66: {  	[hbm:s10@s23], [sflag:s20] =	dma.strided @!p0 [spmem:s21@s26], $0x280, s22, $0x8   }
0x67: {  	s20 =	simm.s32 @!p0 $0x9  }
0x68: {  	_ =	swait.ge @!p0 [sflag:s20], $0x280  }
0x69: {  	s19 =	sadd.s32 $0x1, s19;
	s26 =	rddreg [dreg:$0x7]  }
0x6a: {  	p1 =	sne.s32 s19, s26  }
.Ltmp1:
0x6b: {  	_ = 	snop;
	(pc) =	sbr.rel @!p1 .LBB2_7-.Ltmp1, $3  }
0x6c: {  	_ =	sdelay $0x1  }
0x6d: {  	[sflag:s20] =	ssyncset.done @!p0 $0x0  }
0x6e: {  	[sflag:s20] =	ssyncadd.s32 @!p0 $0xFFFFFD80  }
.LBB2_1:
0x6f: {  	s21 =	simm.s32 $0x0;
	s20 =	rddreg [dreg:$0x5]  }
0x70: {  	[tilespmem:s21], [sflag:$0x9] =	stream.linear.gather [hbm4b:s20+s21], $0x4E20, $0x38;
	[tilespmem:$0x1D8C0] =	vst v63  }
0x71: {  	_ =	swait.ge [sflag:s24], $0x4E20  }
0x72: {  	[sflag:s24] =	ssyncset.done $0x0  }
0x73: {  	s10 =	simm.s32 $0x4E20;
	s23 =	rddreg [dreg:$0x6];
	[sflag:s24] =	ssyncadd.s32 $0xFFFFB1E0  }
0x74: {  	[tilespmem:s10], [sflag:$0x9] =	stream.linear.gather [hbm4b:s23+s21], $0x4E20, $0x38;
	[tilespmem:$0x1D8C0] =	vst v63  }
0x75: {  	s26 =	sand.u32 $0x7F00, s21;
	s20 =	simm.s32 $0x40;
	_ =	swait.ge [sflag:s24], $0x4E20  }
0x76: {  	s22 =	sshrl.u32 s26, $0x2;
	s21 =	sand.u32 $0x30, s21;
	[sflag:s24] =	ssyncset.done $0x0  }
0x77: {  	s22 =	sor.u32 s21, s22;
	s21 =	simm.s32 $0x0;
	[sflag:s24] =	ssyncadd.s32 $0xFFFFB1E0  }
.LBB2_2:
0x78: {  	p1 =	sne.s32 s20, $0x4FC0  }
0x79: {  	[tilespmem:s22+$0x12880] =	vst v1;
	s21 =	sadd.s32 $0x10, s21;
	s22 =	smov.u32 s20;
	s20 =	sadd.s32 $0x40, s20  }
.Ltmp2:
0x7a: {  	(pc) =	sbr.rel @p1 .LBB2_2-.Ltmp2, $4  }
0x7b: {  	_ = 	snop  }
0x7c: {  	s22 =	sand.u32 $0x7F00, s22  }
0x7d: {  	s23 =	sand.u32 $0x30, s21;
	s22 =	sshrl.u32 s22, $0x2  }
0x7e: {  	s22 =	sor.u32 s23, s22  }
0x7f: {  	[tilespmem:s22+$0x12880] =	vst v1;
	s20 =	rddreg [dreg:$0x8];
	s21 =	simm.s32 $0x12880  }
0x80: {  	[spmem:s20] =	stream.linear.scatter [tilespmem:s21], [sflag:$0x9], $0x1400, $0x38;
	[tilespmem:$0x1D8C0] =	vst v63  }
0x81: {  	_ =	swait.ge [sflag:s24], $0x1400  }
0x82: {  	[sflag:s24] =	ssyncset.done $0x0  }
0x83: {  	s26 =	rddreg [dreg:$0x9];
	[sflag:s24] =	ssyncadd.s32 $0xFFFFEC00  }
0x84: {  	[spmem:s26] =	stream.linear.scatter [tilespmem:s21], [sflag:$0x9], $0x1400, $0x38;
	[tilespmem:$0x1D8C0] =	vst v63  }
0x85: {  	_ =	swait.ge [sflag:s24], $0x1400  }
0x86: {  	[sflag:s24] =	ssyncset.done $0x0  }
0x87: {  	s10 =	rddreg [dreg:$0xa];
	[sflag:s24] =	ssyncadd.s32 $0xFFFFEC00  }
0x88: {  	[spmem:s10] =	stream.linear.scatter [tilespmem:s21], [sflag:$0x9], $0x1400, $0x38;
	[tilespmem:$0x1D8C0] =	vst v63  }
0x89: {  	_ =	swait.ge [sflag:s24], $0x1400  }
0x8a: {  	[sflag:s24] =	ssyncset.done $0x0  }
0x8b: {  	s10 =	rddreg [dreg:$0x13];
	[sflag:s24] =	ssyncadd.s32 $0xFFFFEC00  }
0x8c: {  	[spmem:s10] =	stream.linear.scatter [tilespmem:s21], [sflag:$0x9], $0x1400, $0x38;
	[tilespmem:$0x1D8C0] =	vst v63  }
0x8d: {  	_ =	swait.ge [sflag:s24], $0x1400  }
0x8e: {  	[sflag:s24] =	ssyncset.done $0x0  }
0x8f: {  	s22 =	rddreg [dreg:$0x14];
	[sflag:s24] =	ssyncadd.s32 $0xFFFFEC00  }
0x90: {  	[spmem:s22] =	stream.linear.scatter [tilespmem:s21], [sflag:$0x9], $0x1400, $0x38;
	[tilespmem:$0x1D8C0] =	vst v63  }
0x91: {  	_ =	swait.ge [sflag:s24], $0x1400  }
0x92: {  	[sflag:s24] =	ssyncset.done $0x0  }
0x93: {  	s23 =	rddreg [dreg:$0x15];
	[sflag:s24] =	ssyncadd.s32 $0xFFFFEC00  }
0x94: {  	[spmem:s23] =	stream.linear.scatter [tilespmem:s21], [sflag:$0x9], $0x1400, $0x38;
	[tilespmem:$0x1D8C0] =	vst v63  }
0x95: {  	_ =	swait.ge [sflag:s24], $0x1400  }
0x96: {  	[sflag:s24] =	ssyncset.done $0x0  }
0x97: {  	s26 =	rddreg [dreg:$0x16];
	[sflag:s24] =	ssyncadd.s32 $0xFFFFEC00  }
0x98: {  	[spmem:s26] =	stream.linear.scatter [tilespmem:s21], [sflag:$0x9], $0x1400, $0x38;
	[tilespmem:$0x1D8C0] =	vst v63  }
0x99: {  	_ =	swait.ge [sflag:s24], $0x1400  }
0x9a: {  	[sflag:s24] =	ssyncset.done $0x0  }
0x9b: {  	s20 =	simm.s32 @!p0 $0x12880;
	s10 =	rddreg [dreg:$0x17];
	[sflag:s24] =	ssyncadd.s32 $0xFFFFEC00  }
0x9c: {  	[spmem:s10] =	stream.linear.scatter @!p0 [tilespmem:s20], [sflag:$0x9], $0x1400, $0x38;
	[tilespmem:$0x1D8C0] =	vst v63  }
0x9d: {  	s20 =	simm.s32 @!p0 $0x9  }
0x9e: {  	_ =	swait.ge @!p0 [sflag:s20], $0x1400  }
0x9f: {  	[sflag:s20] =	ssyncset.done @!p0 $0x0  }
0xa0: {  	[sflag:s20] =	ssyncadd.s32 @!p0 $0xFFFFEC00  }
0xa1: {  	[bflag:$0x0] =	sbarrier.arrive $0xFFFF  }
0xa2: {  	v2 =	vld [tilespmem:$0x0];
	_ =	sdelay $0x1  }
0xa3: {  	v3 =	vld [tilespmem:$0x10]  }
0xa4: {  	v4 =	vld [tilespmem:$0x4E20]  }
0xa5: {  	v5 =	vld [tilespmem:$0x20]  }
0xa6: {  	v6 =	vld [tilespmem:$0x4E30];
	v2 =	vshll.u32 v2, $0x1  }
0xa7: {  	v7 =	vld [tilespmem:$0x30];
	v2 =	vor.u32 v0, v2  }
0xa8: {  	[tilespmem:$0x9C40] =	vst v2;
	v2 =	vshll.u32 v3, $0x1;
	v3 =	vld [tilespmem:$0x4E40]  }
0xa9: {  	v24 =	vld [tilespmem:$0x40];
	[tilespmem:$0x9E40] =	vst v4;
	v2 =	vor.u32 v0, v2  }
0xaa: {  	v25 =	vld [tilespmem:$0x4E50];
	[tilespmem:$0x9C50] =	vst v2;
	v2 =	vshll.u32 v5, $0x1  }
0xab: {  	v26 =	vld [tilespmem:$0x50];
	[tilespmem:$0x9E50] =	vst v6;
	v2 =	vor.u32 v0, v2  }
0xac: {  	v27 =	vld [tilespmem:$0x4E60];
	[tilespmem:$0x9C60] =	vst v2;
	v2 =	vshll.u32 v7, $0x1  }
0xad: {  	[tilespmem:$0x9E60] =	vst v3;
	v2 =	vor.u32 v0, v2;
	v3 =	vld [tilespmem:$0x60]  }
0xae: {  	v28 =	vld [tilespmem:$0x4E70];
	[tilespmem:$0x9C70] =	vst v2;
	v2 =	vshll.u32 v24, $0x1  }
0xaf: {  	v29 =	vld [tilespmem:$0x70];
	[tilespmem:$0x9E70] =	vst v25;
	v2 =	vor.u32 v0, v2  }
0xb0: {  	v30 =	vld [tilespmem:$0x4E80];
	[tilespmem:$0x9C80] =	vst v2;
	v2 =	vshll.u32 v26, $0x1  }
0xb1: {  	[tilespmem:$0x9E80] =	vst v27;
	v2 =	vor.u32 v0, v2  }
0xb2: {  	[tilespmem:$0x9C90] =	vst v2;
	v2 =	vshll.u32 v3, $0x1;
	v3 =	vld [tilespmem:$0x4E90]  }
0xb3: {  	[tilespmem:$0x9E90] =	vst v28;
	v2 =	vor.u32 v0, v2  }
0xb4: {  	[tilespmem:$0x9CA0] =	vst v2;
	v2 =	vshll.u32 v29, $0x1  }
0xb5: {  	[tilespmem:$0x9EA0] =	vst v30;
	v2 =	vor.u32 v0, v2  }
0xb6: {  	[tilespmem:$0x9CB0] =	vst v2  }
0xb7: {  	[tilespmem:$0x9EB0] =	vst v3  }
0xb8: {  	[tilespmem:s30], [sflag:$0x1] =	stream.indirect.gather [hbm4b:s2+s28], $0x40, s29, s28, $0xb8;
	[tilespmem:$0x1D8C0] =	vst v63  }
0xb9: {  	v2 =	vld [tilespmem:$0x80];
	_ =	sdelay $0x1  }
0xba: {  	v3 =	vld [tilespmem:$0x90]  }
0xbb: {  	v31 =	vld [tilespmem:$0x4EA0]  }
0xbc: {  	v32 =	vld [tilespmem:$0xA0]  }
0xbd: {  	v33 =	vld [tilespmem:$0x4EB0];
	v2 =	vshll.u32 v2, $0x1  }
0xbe: {  	v34 =	vld [tilespmem:$0xB0];
	v2 =	vor.u32 v0, v2  }
0xbf: {  	[tilespmem:$0x9CC0] =	vst v2;
	v2 =	vshll.u32 v3, $0x1;
	v3 =	vld [tilespmem:$0x4EC0]  }
0xc0: {  	v35 =	vld [tilespmem:$0xC0];
	[tilespmem:$0x9EC0] =	vst v31;
	v2 =	vor.u32 v0, v2  }
0xc1: {  	v36 =	vld [tilespmem:$0x4ED0];
	[tilespmem:$0x9CD0] =	vst v2;
	v2 =	vshll.u32 v32, $0x1  }
0xc2: {  	v37 =	vld [tilespmem:$0xD0];
	[tilespmem:$0x9ED0] =	vst v33;
	v2 =	vor.u32 v0, v2  }
0xc3: {  	v38 =	vld [tilespmem:$0x4EE0];
	[tilespmem:$0x9CE0] =	vst v2;
	v2 =	vshll.u32 v34, $0x1  }
0xc4: {  	[tilespmem:$0x9EE0] =	vst v3;
	v2 =	vor.u32 v0, v2;
	v3 =	vld [tilespmem:$0xE0]  }
0xc5: {  	v39 =	vld [tilespmem:$0x4EF0];
	[tilespmem:$0x9CF0] =	vst v2;
	v2 =	vshll.u32 v35, $0x1  }
0xc6: {  	v40 =	vld [tilespmem:$0xF0];
	[tilespmem:$0x9EF0] =	vst v36;
	v2 =	vor.u32 v0, v2  }
0xc7: {  	v41 =	vld [tilespmem:$0x4F00];
	[tilespmem:$0x9D00] =	vst v2;
	v2 =	vshll.u32 v37, $0x1  }
0xc8: {  	[tilespmem:$0x9F00] =	vst v38;
	v2 =	vor.u32 v0, v2  }
0xc9: {  	[tilespmem:$0x9D10] =	vst v2;
	v2 =	vshll.u32 v3, $0x1;
	v3 =	vld [tilespmem:$0x4F10]  }
0xca: {  	[tilespmem:$0x9F10] =	vst v39;
	v2 =	vor.u32 v0, v2  }
0xcb: {  	[tilespmem:$0x9D20] =	vst v2;
	v2 =	vshll.u32 v40, $0x1  }
0xcc: {  	[tilespmem:$0x9F20] =	vst v41;
	v2 =	vor.u32 v0, v2  }
0xcd: {  	[tilespmem:$0x9D30] =	vst v2  }
0xce: {  	[tilespmem:$0x9F30] =	vst v3  }
0xcf: {  	[tilespmem:s0], [sflag:$0x2] =	stream.indirect.gather [hbm4b:s2+s28], $0x40, s31, s28, $0xb8;
	[tilespmem:$0x1D8C0] =	vst v63  }
0xd0: {  	v2 =	vld [tilespmem:$0x100];
	_ =	sdelay $0x1  }
0xd1: {  	v3 =	vld [tilespmem:$0x110]  }
0xd2: {  	v42 =	vld [tilespmem:$0x4F20]  }
0xd3: {  	v43 =	vld [tilespmem:$0x120]  }
0xd4: {  	v44 =	vld [tilespmem:$0x4F30];
	v2 =	vshll.u32 v2, $0x1  }
0xd5: {  	v45 =	vld [tilespmem:$0x130];
	v2 =	vor.u32 v0, v2  }
0xd6: {  	[tilespmem:$0x9D40] =	vst v2;
	v2 =	vshll.u32 v3, $0x1;
	v3 =	vld [tilespmem:$0x4F40]  }
0xd7: {  	v46 =	vld [tilespmem:$0x140];
	[tilespmem:$0x9F40] =	vst v42;
	v2 =	vor.u32 v0, v2  }
0xd8: {  	v47 =	vld [tilespmem:$0x4F50];
	[tilespmem:$0x9D50] =	vst v2;
	v2 =	vshll.u32 v43, $0x1  }
0xd9: {  	v48 =	vld [tilespmem:$0x150];
	[tilespmem:$0x9F50] =	vst v44;
	v2 =	vor.u32 v0, v2  }
0xda: {  	v49 =	vld [tilespmem:$0x4F60];
	[tilespmem:$0x9D60] =	vst v2;
	v2 =	vshll.u32 v45, $0x1  }
0xdb: {  	[tilespmem:$0x9F60] =	vst v3;
	v2 =	vor.u32 v0, v2;
	v3 =	vld [tilespmem:$0x160]  }
0xdc: {  	v50 =	vld [tilespmem:$0x4F70];
	[tilespmem:$0x9D70] =	vst v2;
	v2 =	vshll.u32 v46, $0x1  }
0xdd: {  	v51 =	vld [tilespmem:$0x170];
	[tilespmem:$0x9F70] =	vst v47;
	v2 =	vor.u32 v0, v2  }
0xde: {  	v52 =	vld [tilespmem:$0x4F80];
	[tilespmem:$0x9D80] =	vst v2;
	v2 =	vshll.u32 v48, $0x1  }
0xdf: {  	[tilespmem:$0x9F80] =	vst v49;
	v2 =	vor.u32 v0, v2  }
0xe0: {  	[tilespmem:$0x9D90] =	vst v2;
	v2 =	vshll.u32 v3, $0x1;
	v3 =	vld [tilespmem:$0x4F90]  }
0xe1: {  	[tilespmem:$0x9F90] =	vst v50;
	v2 =	vor.u32 v0, v2  }
0xe2: {  	[tilespmem:$0x9DA0] =	vst v2;
	v2 =	vshll.u32 v51, $0x1  }
0xe3: {  	[tilespmem:$0x9FA0] =	vst v52;
	v2 =	vor.u32 v0, v2  }
0xe4: {  	[tilespmem:$0x9DB0] =	vst v2  }
0xe5: {  	[tilespmem:$0x9FB0] =	vst v3  }
0xe6: {  	[tilespmem:s1], [sflag:$0x3] =	stream.indirect.gather [hbm4b:s2+s28], $0x40, s25, s28, $0xb8;
	[tilespmem:$0x1D8C0] =	vst v63  }
0xe7: {  	v2 =	vld [tilespmem:$0x180];
	_ =	sdelay $0x1  }
0xe8: {  	v3 =	vld [tilespmem:$0x190]  }
0xe9: {  	v53 =	vld [tilespmem:$0x4FA0]  }
0xea: {  	v54 =	vld [tilespmem:$0x1A0]  }
0xeb: {  	v55 =	vld [tilespmem:$0x4FB0];
	v2 =	vshll.u32 v2, $0x1  }
0xec: {  	v56 =	vld [tilespmem:$0x1B0];
	v2 =	vor.u32 v0, v2  }
0xed: {  	[tilespmem:$0x9DC0] =	vst v2;
	v2 =	vshll.u32 v3, $0x1;
	v3 =	vld [tilespmem:$0x4FC0]  }
0xee: {  	v57 =	vld [tilespmem:$0x1C0];
	[tilespmem:$0x9FC0] =	vst v53;
	v2 =	vor.u32 v0, v2  }
0xef: {  	v58 =	vld [tilespmem:$0x4FD0];
	[tilespmem:$0x9DD0] =	vst v2;
	v2 =	vshll.u32 v54, $0x1  }
0xf0: {  	v59 =	vld [tilespmem:$0x1D0];
	[tilespmem:$0x9FD0] =	vst v55;
	v2 =	vor.u32 v0, v2  }
0xf1: {  	v60 =	vld [tilespmem:$0x4FE0];
	[tilespmem:$0x9DE0] =	vst v2;
	v2 =	vshll.u32 v56, $0x1  }
0xf2: {  	[tilespmem:$0x9FE0] =	vst v3;
	v2 =	vor.u32 v0, v2;
	v3 =	vld [tilespmem:$0x1E0]  }
0xf3: {  	v61 =	vld [tilespmem:$0x4FF0];
	[tilespmem:$0x9DF0] =	vst v2;
	v2 =	vshll.u32 v57, $0x1  }
0xf4: {  	v62 =	vld [tilespmem:$0x1F0];
	[tilespmem:$0x9FF0] =	vst v58;
	v2 =	vor.u32 v0, v2  }
0xf5: {  	v63 =	vld [tilespmem:$0x5000];
	[tilespmem:$0x9E00] =	vst v2;
	v2 =	vshll.u32 v59, $0x1  }
0xf6: {  	[tilespmem:$0xA000] =	vst v60;
	v2 =	vor.u32 v0, v2  }
0xf7: {  	[tilespmem:$0x9E10] =	vst v2;
	v2 =	vshll.u32 v3, $0x1;
	v3 =	vld [tilespmem:$0x5010]  }
0xf8: {  	[tilespmem:$0xA010] =	vst v61;
	v2 =	vor.u32 v0, v2  }
0xf9: {  	[tilespmem:$0x9E20] =	vst v2;
	v2 =	vshll.u32 v62, $0x1  }
0xfa: {  	[tilespmem:$0xA020] =	vst v63;
	v2 =	vor.u32 v0, v2  }
0xfb: {  	[tilespmem:$0x9E30] =	vst v2  }
0xfc: {  	s20 =	simm.s32 $0xFC0;
	[tilespmem:$0xA030] =	vst v3  }
0xfd: {  	[tilespmem:s6], [sflag:$0x4] =	stream.indirect.gather [hbm4b:s2+s28], $0x40, s5, s28, $0xb8;
	[tilespmem:$0x1D8C0] =	vst v63  }
.LBB2_4:
0xfe: {  	_ =	swait.ge [sflag:s7], $0x2000  }
0xff: {  	[sflag:s7] =	ssyncset.done $0x0  }
0x100: {  	[sflag:s7] =	ssyncadd.s32 $0xFFFFE000  }
0x101: {  	[spmem:s3] =	stream.indirect.scatter.add.f32 [tilespmem:s30], [sflag:$0x5], $0x40, s11, s28, $0xb8;
	[tilespmem:$0x1D8C0] =	vst v63  }
0x102: {  	_ =	swait.ge [sflag:s12], $0x2000  }
0x103: {  	[sflag:s12] =	ssyncset.done $0x0  }
0x104: {  	[sflag:s12] =	ssyncadd.s32 $0xFFFFE000  }
0x105: {  	[spmem:s3] =	stream.indirect.scatter.add.f32 [tilespmem:s0], [sflag:$0x6], $0x40, s13, s28, $0xb8;
	[tilespmem:$0x1D8C0] =	vst v63  }
0x106: {  	_ =	swait.ge [sflag:s14], $0x2000  }
0x107: {  	[sflag:s14] =	ssyncset.done $0x0  }
0x108: {  	[sflag:s14] =	ssyncadd.s32 $0xFFFFE000  }
0x109: {  	[spmem:s3] =	stream.indirect.scatter.add.f32 [tilespmem:s1], [sflag:$0x7], $0x40, s15, s28, $0xb8;
	[tilespmem:$0x1D8C0] =	vst v63  }
0x10a: {  	_ =	swait.ge [sflag:s16], $0x2000  }
0x10b: {  	p1 =	seq.s32 s20, $0x13FC0;
	[sflag:s16] =	ssyncset.done $0x0  }
.Ltmp3:
0x10c: {  	[sflag:s16] =	ssyncadd.s32 $0xFFFFE000;
	(pc) =	sbr.rel @p1 .LBB2_6-.Ltmp3, $4  }
0x10d: {  	[spmem:s3] =	stream.indirect.scatter.add.f32 [tilespmem:s6], [sflag:$0x8], $0x40, s17, s28, $0xb8;
	[tilespmem:$0x1D8C0] =	vst v63  }
0x10e: {  	_ =	swait.ge [sflag:s18], $0x2000  }
0x10f: {  	[sflag:s18] =	ssyncset.done $0x0  }
0x110: {  	[sflag:s18] =	ssyncadd.s32 $0xFFFFE000  }
0x111: {  	s21 =	sshra.s32 s20, $0x2  }
0x112: {  	v2 =	vld [tilespmem:s21+$0xFFFFFE10];
	_ =	sdelay $0x4  }
0x113: {  	v2 =	vshll.u32 v2, $0x1  }
0x114: {  	v2 =	vor.u32 v0, v2  }
0x115: {  	[tilespmem:$0x9C40] =	vst v2  }
0x116: {  	v2 =	vld [tilespmem:s21+$0x4C30];
	_ =	sdelay $0x4  }
0x117: {  	[tilespmem:$0x9E40] =	vst v2  }
0x118: {  	v2 =	vld [tilespmem:s21+$0xFFFFFE20];
	_ =	sdelay $0x4  }
0x119: {  	v2 =	vshll.u32 v2, $0x1  }
0x11a: {  	v2 =	vor.u32 v0, v2  }
0x11b: {  	[tilespmem:$0x9C50] =	vst v2  }
0x11c: {  	v2 =	vld [tilespmem:s21+$0x4C40];
	_ =	sdelay $0x4  }
0x11d: {  	[tilespmem:$0x9E50] =	vst v2  }
0x11e: {  	v2 =	vld [tilespmem:s21+$0xFFFFFE30];
	_ =	sdelay $0x4  }
0x11f: {  	v2 =	vshll.u32 v2, $0x1  }
0x120: {  	v2 =	vor.u32 v0, v2  }
0x121: {  	[tilespmem:$0x9C60] =	vst v2  }
0x122: {  	v2 =	vld [tilespmem:s21+$0x4C50];
	_ =	sdelay $0x4  }
0x123: {  	[tilespmem:$0x9E60] =	vst v2  }
0x124: {  	v2 =	vld [tilespmem:s21+$0xFFFFFE40];
	_ =	sdelay $0x4  }
0x125: {  	v2 =	vshll.u32 v2, $0x1  }
0x126: {  	v2 =	vor.u32 v0, v2  }
0x127: {  	[tilespmem:$0x9C70] =	vst v2  }
0x128: {  	v2 =	vld [tilespmem:s21+$0x4C60];
	_ =	sdelay $0x4  }
0x129: {  	[tilespmem:$0x9E70] =	vst v2  }
0x12a: {  	v2 =	vld [tilespmem:s21+$0xFFFFFE50];
	_ =	sdelay $0x4  }
0x12b: {  	v2 =	vshll.u32 v2, $0x1  }
0x12c: {  	v2 =	vor.u32 v0, v2  }
0x12d: {  	[tilespmem:$0x9C80] =	vst v2  }
0x12e: {  	v2 =	vld [tilespmem:s21+$0x4C70];
	_ =	sdelay $0x4  }
0x12f: {  	[tilespmem:$0x9E80] =	vst v2  }
0x130: {  	v2 =	vld [tilespmem:s21+$0xFFFFFE60];
	_ =	sdelay $0x4  }
0x131: {  	v2 =	vshll.u32 v2, $0x1  }
0x132: {  	v2 =	vor.u32 v0, v2  }
0x133: {  	[tilespmem:$0x9C90] =	vst v2  }
0x134: {  	v2 =	vld [tilespmem:s21+$0x4C80];
	_ =	sdelay $0x4  }
0x135: {  	[tilespmem:$0x9E90] =	vst v2  }
0x136: {  	v2 =	vld [tilespmem:s21+$0xFFFFFE70];
	_ =	sdelay $0x4  }
0x137: {  	v2 =	vshll.u32 v2, $0x1  }
0x138: {  	v2 =	vor.u32 v0, v2  }
0x139: {  	[tilespmem:$0x9CA0] =	vst v2  }
0x13a: {  	v2 =	vld [tilespmem:s21+$0x4C90];
	_ =	sdelay $0x4  }
0x13b: {  	[tilespmem:$0x9EA0] =	vst v2  }
0x13c: {  	v2 =	vld [tilespmem:s21+$0xFFFFFE80];
	_ =	sdelay $0x4  }
0x13d: {  	v2 =	vshll.u32 v2, $0x1  }
0x13e: {  	v2 =	vor.u32 v0, v2  }
0x13f: {  	[tilespmem:$0x9CB0] =	vst v2  }
0x140: {  	v2 =	vld [tilespmem:s21+$0x4CA0];
	_ =	sdelay $0x4  }
0x141: {  	[tilespmem:$0x9EB0] =	vst v2  }
0x142: {  	[tilespmem:s30], [sflag:$0x1] =	stream.indirect.gather [hbm4b:s2+s28], $0x40, s29, s28, $0xb8;
	[tilespmem:$0x1D8C0] =	vst v63  }
0x143: {  	_ =	swait.ge [sflag:s4], $0x2000  }
0x144: {  	[sflag:s4] =	ssyncset.done $0x0  }
0x145: {  	[sflag:s4] =	ssyncadd.s32 $0xFFFFE000  }
0x146: {  	v2 =	vld [tilespmem:s21+$0xFFFFFE90];
	_ =	sdelay $0x4  }
0x147: {  	v2 =	vshll.u32 v2, $0x1  }
0x148: {  	v2 =	vor.u32 v0, v2  }
0x149: {  	[tilespmem:$0x9CC0] =	vst v2  }
0x14a: {  	v2 =	vld [tilespmem:s21+$0x4CB0];
	_ =	sdelay $0x4  }
0x14b: {  	[tilespmem:$0x9EC0] =	vst v2  }
0x14c: {  	v2 =	vld [tilespmem:s21+$0xFFFFFEA0];
	_ =	sdelay $0x4  }
0x14d: {  	v2 =	vshll.u32 v2, $0x1  }
0x14e: {  	v2 =	vor.u32 v0, v2  }
0x14f: {  	[tilespmem:$0x9CD0] =	vst v2  }
0x150: {  	v2 =	vld [tilespmem:s21+$0x4CC0];
	_ =	sdelay $0x4  }
0x151: {  	[tilespmem:$0x9ED0] =	vst v2  }
0x152: {  	v2 =	vld [tilespmem:s21+$0xFFFFFEB0];
	_ =	sdelay $0x4  }
0x153: {  	v2 =	vshll.u32 v2, $0x1  }
0x154: {  	v2 =	vor.u32 v0, v2  }
0x155: {  	[tilespmem:$0x9CE0] =	vst v2  }
0x156: {  	v2 =	vld [tilespmem:s21+$0x4CD0];
	_ =	sdelay $0x4  }
0x157: {  	[tilespmem:$0x9EE0] =	vst v2  }
0x158: {  	v2 =	vld [tilespmem:s21+$0xFFFFFEC0];
	_ =	sdelay $0x4  }
0x159: {  	v2 =	vshll.u32 v2, $0x1  }
0x15a: {  	v2 =	vor.u32 v0, v2  }
0x15b: {  	[tilespmem:$0x9CF0] =	vst v2  }
0x15c: {  	v2 =	vld [tilespmem:s21+$0x4CE0];
	_ =	sdelay $0x4  }
0x15d: {  	[tilespmem:$0x9EF0] =	vst v2  }
0x15e: {  	v2 =	vld [tilespmem:s21+$0xFFFFFED0];
	_ =	sdelay $0x4  }
0x15f: {  	v2 =	vshll.u32 v2, $0x1  }
0x160: {  	v2 =	vor.u32 v0, v2  }
0x161: {  	[tilespmem:$0x9D00] =	vst v2  }
0x162: {  	v2 =	vld [tilespmem:s21+$0x4CF0];
	_ =	sdelay $0x4  }
0x163: {  	[tilespmem:$0x9F00] =	vst v2  }
0x164: {  	v2 =	vld [tilespmem:s21+$0xFFFFFEE0];
	_ =	sdelay $0x4  }
0x165: {  	v2 =	vshll.u32 v2, $0x1  }
0x166: {  	v2 =	vor.u32 v0, v2  }
0x167: {  	[tilespmem:$0x9D10] =	vst v2  }
0x168: {  	v2 =	vld [tilespmem:s21+$0x4D00];
	_ =	sdelay $0x4  }
0x169: {  	[tilespmem:$0x9F10] =	vst v2  }
0x16a: {  	v2 =	vld [tilespmem:s21+$0xFFFFFEF0];
	_ =	sdelay $0x4  }
0x16b: {  	v2 =	vshll.u32 v2, $0x1  }
0x16c: {  	v2 =	vor.u32 v0, v2  }
0x16d: {  	[tilespmem:$0x9D20] =	vst v2  }
0x16e: {  	v2 =	vld [tilespmem:s21+$0x4D10];
	_ =	sdelay $0x4  }
0x16f: {  	[tilespmem:$0x9F20] =	vst v2  }
0x170: {  	v2 =	vld [tilespmem:s21+$0xFFFFFF00];
	_ =	sdelay $0x4  }
0x171: {  	v2 =	vshll.u32 v2, $0x1  }
0x172: {  	v2 =	vor.u32 v0, v2  }
0x173: {  	[tilespmem:$0x9D30] =	vst v2  }
0x174: {  	v2 =	vld [tilespmem:s21+$0x4D20];
	_ =	sdelay $0x4  }
0x175: {  	[tilespmem:$0x9F30] =	vst v2  }
0x176: {  	[tilespmem:s0], [sflag:$0x2] =	stream.indirect.gather [hbm4b:s2+s28], $0x40, s31, s28, $0xb8;
	[tilespmem:$0x1D8C0] =	vst v63  }
0x177: {  	_ =	swait.ge [sflag:s8], $0x2000  }
0x178: {  	[sflag:s8] =	ssyncset.done $0x0  }
0x179: {  	[sflag:s8] =	ssyncadd.s32 $0xFFFFE000  }
0x17a: {  	v2 =	vld [tilespmem:s21+$0xFFFFFF10];
	_ =	sdelay $0x4  }
0x17b: {  	v2 =	vshll.u32 v2, $0x1  }
0x17c: {  	v2 =	vor.u32 v0, v2  }
0x17d: {  	[tilespmem:$0x9D40] =	vst v2  }
0x17e: {  	v2 =	vld [tilespmem:s21+$0x4D30];
	_ =	sdelay $0x4  }
0x17f: {  	[tilespmem:$0x9F40] =	vst v2  }
0x180: {  	v2 =	vld [tilespmem:s21+$0xFFFFFF20];
	_ =	sdelay $0x4  }
0x181: {  	v2 =	vshll.u32 v2, $0x1  }
0x182: {  	v2 =	vor.u32 v0, v2  }
0x183: {  	[tilespmem:$0x9D50] =	vst v2  }
0x184: {  	v2 =	vld [tilespmem:s21+$0x4D40];
	_ =	sdelay $0x4  }
0x185: {  	[tilespmem:$0x9F50] =	vst v2  }
0x186: {  	v2 =	vld [tilespmem:s21+$0xFFFFFF30];
	_ =	sdelay $0x4  }
0x187: {  	v2 =	vshll.u32 v2, $0x1  }
0x188: {  	v2 =	vor.u32 v0, v2  }
0x189: {  	[tilespmem:$0x9D60] =	vst v2  }
0x18a: {  	v2 =	vld [tilespmem:s21+$0x4D50];
	_ =	sdelay $0x4  }
0x18b: {  	[tilespmem:$0x9F60] =	vst v2  }
0x18c: {  	v2 =	vld [tilespmem:s21+$0xFFFFFF40];
	_ =	sdelay $0x4  }
0x18d: {  	v2 =	vshll.u32 v2, $0x1  }
0x18e: {  	v2 =	vor.u32 v0, v2  }
0x18f: {  	[tilespmem:$0x9D70] =	vst v2  }
0x190: {  	v2 =	vld [tilespmem:s21+$0x4D60];
	_ =	sdelay $0x4  }
0x191: {  	[tilespmem:$0x9F70] =	vst v2  }
0x192: {  	v2 =	vld [tilespmem:s21+$0xFFFFFF50];
	_ =	sdelay $0x4  }
0x193: {  	v2 =	vshll.u32 v2, $0x1  }
0x194: {  	v2 =	vor.u32 v0, v2  }
0x195: {  	[tilespmem:$0x9D80] =	vst v2  }
0x196: {  	v2 =	vld [tilespmem:s21+$0x4D70];
	_ =	sdelay $0x4  }
0x197: {  	[tilespmem:$0x9F80] =	vst v2  }
0x198: {  	v2 =	vld [tilespmem:s21+$0xFFFFFF60];
	_ =	sdelay $0x4  }
0x199: {  	v2 =	vshll.u32 v2, $0x1  }
0x19a: {  	v2 =	vor.u32 v0, v2  }
0x19b: {  	[tilespmem:$0x9D90] =	vst v2  }
0x19c: {  	v2 =	vld [tilespmem:s21+$0x4D80];
	_ =	sdelay $0x4  }
0x19d: {  	[tilespmem:$0x9F90] =	vst v2  }
0x19e: {  	v2 =	vld [tilespmem:s21+$0xFFFFFF70];
	_ =	sdelay $0x4  }
0x19f: {  	v2 =	vshll.u32 v2, $0x1  }
0x1a0: {  	v2 =	vor.u32 v0, v2  }
0x1a1: {  	[tilespmem:$0x9DA0] =	vst v2  }
0x1a2: {  	v2 =	vld [tilespmem:s21+$0x4D90];
	_ =	sdelay $0x4  }
0x1a3: {  	[tilespmem:$0x9FA0] =	vst v2  }
0x1a4: {  	v2 =	vld [tilespmem:s21+$0xFFFFFF80];
	_ =	sdelay $0x4  }
0x1a5: {  	v2 =	vshll.u32 v2, $0x1  }
0x1a6: {  	v2 =	vor.u32 v0, v2  }
0x1a7: {  	[tilespmem:$0x9DB0] =	vst v2  }
0x1a8: {  	v2 =	vld [tilespmem:s21+$0x4DA0];
	_ =	sdelay $0x4  }
0x1a9: {  	[tilespmem:$0x9FB0] =	vst v2  }
0x1aa: {  	[tilespmem:s1], [sflag:$0x3] =	stream.indirect.gather [hbm4b:s2+s28], $0x40, s25, s28, $0xb8;
	[tilespmem:$0x1D8C0] =	vst v63  }
0x1ab: {  	_ =	swait.ge [sflag:s9], $0x2000  }
0x1ac: {  	[sflag:s9] =	ssyncset.done $0x0  }
0x1ad: {  	[sflag:s9] =	ssyncadd.s32 $0xFFFFE000  }
0x1ae: {  	v2 =	vld [tilespmem:s21+$0xFFFFFF90];
	_ =	sdelay $0x4  }
0x1af: {  	v2 =	vshll.u32 v2, $0x1  }
0x1b0: {  	v2 =	vor.u32 v0, v2  }
0x1b1: {  	[tilespmem:$0x9DC0] =	vst v2  }
0x1b2: {  	v2 =	vld [tilespmem:s21+$0x4DB0];
	_ =	sdelay $0x4  }
0x1b3: {  	[tilespmem:$0x9FC0] =	vst v2  }
0x1b4: {  	v2 =	vld [tilespmem:s21+$0xFFFFFFA0];
	_ =	sdelay $0x4  }
0x1b5: {  	v2 =	vshll.u32 v2, $0x1  }
0x1b6: {  	v2 =	vor.u32 v0, v2  }
0x1b7: {  	[tilespmem:$0x9DD0] =	vst v2  }
0x1b8: {  	v2 =	vld [tilespmem:s21+$0x4DC0];
	_ =	sdelay $0x4  }
0x1b9: {  	[tilespmem:$0x9FD0] =	vst v2  }
0x1ba: {  	v2 =	vld [tilespmem:s21+$0xFFFFFFB0];
	_ =	sdelay $0x4  }
0x1bb: {  	v2 =	vshll.u32 v2, $0x1  }
0x1bc: {  	v2 =	vor.u32 v0, v2  }
0x1bd: {  	[tilespmem:$0x9DE0] =	vst v2  }
0x1be: {  	v2 =	vld [tilespmem:s21+$0x4DD0];
	_ =	sdelay $0x4  }
0x1bf: {  	[tilespmem:$0x9FE0] =	vst v2  }
0x1c0: {  	v2 =	vld [tilespmem:s21+$0xFFFFFFC0];
	_ =	sdelay $0x4  }
0x1c1: {  	v2 =	vshll.u32 v2, $0x1  }
0x1c2: {  	v2 =	vor.u32 v0, v2  }
0x1c3: {  	[tilespmem:$0x9DF0] =	vst v2  }
0x1c4: {  	v2 =	vld [tilespmem:s21+$0x4DE0];
	_ =	sdelay $0x4  }
0x1c5: {  	[tilespmem:$0x9FF0] =	vst v2  }
0x1c6: {  	v2 =	vld [tilespmem:s21+$0xFFFFFFD0];
	_ =	sdelay $0x4  }
0x1c7: {  	v2 =	vshll.u32 v2, $0x1  }
0x1c8: {  	v2 =	vor.u32 v0, v2  }
0x1c9: {  	[tilespmem:$0x9E00] =	vst v2  }
0x1ca: {  	v2 =	vld [tilespmem:s21+$0x4DF0];
	_ =	sdelay $0x4  }
0x1cb: {  	[tilespmem:$0xA000] =	vst v2  }
0x1cc: {  	v2 =	vld [tilespmem:s21+$0xFFFFFFE0];
	_ =	sdelay $0x4  }
0x1cd: {  	v2 =	vshll.u32 v2, $0x1  }
0x1ce: {  	v2 =	vor.u32 v0, v2  }
0x1cf: {  	[tilespmem:$0x9E10] =	vst v2  }
0x1d0: {  	v2 =	vld [tilespmem:s21+$0x4E00];
	_ =	sdelay $0x4  }
0x1d1: {  	[tilespmem:$0xA010] =	vst v2  }
0x1d2: {  	v2 =	vld [tilespmem:s21+$0xFFFFFFF0];
	_ =	sdelay $0x4  }
0x1d3: {  	v2 =	vshll.u32 v2, $0x1  }
0x1d4: {  	v2 =	vor.u32 v0, v2  }
0x1d5: {  	[tilespmem:$0x9E20] =	vst v2  }
0x1d6: {  	v2 =	vld [tilespmem:s21+$0x4E10];
	_ =	sdelay $0x4  }
0x1d7: {  	[tilespmem:$0xA020] =	vst v2  }
0x1d8: {  	v2 =	vld [tilespmem:s21+$0x0];
	_ =	sdelay $0x4  }
0x1d9: {  	v2 =	vshll.u32 v2, $0x1  }
0x1da: {  	v2 =	vor.u32 v0, v2  }
0x1db: {  	[tilespmem:$0x9E30] =	vst v2  }
0x1dc: {  	v2 =	vld [tilespmem:s21+$0x4E20];
	_ =	sdelay $0x1  }
.Ltmp4:
0x1dd: {  	_ = 	snop;
	(pc) =	sbr.rel .LBB2_4-.Ltmp4, $3  }
0x1de: {  	_ =	sdelay $0x1  }
0x1df: {  	s20 =	sadd.s32 $0x800, s20;
	[tilespmem:$0xA030] =	vst v2  }
0x1e0: {  	[tilespmem:s6], [sflag:$0x4] =	stream.indirect.gather [hbm4b:s2+s28], $0x40, s5, s28, $0xb8;
	[tilespmem:$0x1D8C0] =	vst v63  }
.LBB2_7:
0x1e1: {  	_ =	sfence.sel $0x180000  }
0x1e2: {  	[bflag:$0x0] =	sbarrier.arrive $0xFFFF  }
0x1e3: {  	_ =	strace $0x90000047  }
0x1e4: {  	s0 =	stileid.u32;
	[bflag:$0x2] =	sbarrier.arrive $0xFFFF  }
0x1e5: {  	p0 =	sne.s32 s0, $0x0;
	s0 =	rddreg [dreg:$0x4]  }
0x1e6: {  	s0 =	sadd.s32 @!p0 $0x100000, s0  }
0x1e7: {  	[sflag:s0] =	ssyncadd.tile.s32 @!p0 $0x1;
	_ =	shalt  }
.Lfunc_end2:
_tile_overlayer_lowered:
.L_overlay_start_2:
0x1e8: {  	(tag) =	ssettag $0x2  }
0x1e9: {  	s0 =	rddreg [dreg:$0x0];
	s2 =	stileid.u32  }
0x1ea: {  	s1 =	rddreg [dreg:$0x1];
	p0 =	sne.s32 s2, $0x0  }
0x1eb: {  	s3 =	rddreg [dreg:$0x2];
	[bflag:$0x3] =	sbarrier.arrive $0xFFFF;
	s2 =	simm.s32 @!p0 $0x1C09  }
0x1ec: {  	[timem:s3], [sflag:s2] =	dma.local @!p0 [hbm:s0], s1  }
0x1ed: {  	s0 =	simm.s32 @!p0 $0x9  }
0x1ee: {  	_ =	swait.ge @!p0 [sflag:s0], s1  }
0x1ef: {  	s1 =	ssub.s32 @!p0 $0x0, s1;
	[sflag:s0] =	ssyncset.done @!p0 $0x0  }
0x1f0: {  	[sflag:s0] =	ssyncadd.s32 @!p0 s1  }
0x1f1: {  	[bflag:$0x3] =	sbarrier.arrive $0xFFFF  }
0x1f2: {  	_ =	shalt  }

</sc_bundles>
